<compile_context>
chip_gen: v7x
topology: tpu7x:2x2x1
jax: 0.10.2.dev20260603
libtpu: 0.0.44.dev20260713+nightly
codegen_flags: <defaults>
</compile_context>

<pallas_src>
import jax
import jax.numpy as jnp
from jax import lax
from jax.experimental import pallas as pl
from jax.experimental.pallas import tpu as pltpu
from jax.experimental.pallas import tpu_sc as plsc

_B, _S, _D = 16, 2048, 128
_ROWS_OUT = _B * (_S // 2)
_NC, _NS, _L = 2, 16, 16
_NW = _NC * _NS
_RPW = _ROWS_OUT // _NW
_CHUNK = 64
_NCHUNK = _RPW // _CHUNK


def _sampler_body(trip_hbm, out_hbm, idx_v, rows_v, gsem, wsem):
    wid = lax.axis_index("s") * _NC + lax.axis_index("c")
    base = wid * _RPW

    iota = lax.iota(jnp.int32, _L)
    for j in range(_NCHUNK):
        for i in range(_CHUNK // _L):
            start = base + j * _CHUNK + i * _L
            idx_v[j, pl.ds(i * _L, _L)] = 2 * start + 2 * iota

    gathers = []
    for j in range(_NCHUNK):
        gathers.append(
            pltpu.async_copy(
                trip_hbm.at[idx_v.at[j]],
                rows_v.at[pl.ds(j * _CHUNK, _CHUNK)],
                gsem,
            )
        )
    writes = []
    for j in range(_NCHUNK):
        gathers[j].wait()
        writes.append(
            pltpu.async_copy(
                rows_v.at[pl.ds(j * _CHUNK, _CHUNK)],
                out_hbm.at[pl.ds(base + j * _CHUNK, _CHUNK)],
                wsem,
            )
        )
    for w in writes:
        w.wait()


@jax.jit
def _sampler(trip2d):
    mesh = plsc.VectorSubcoreMesh(core_axis_name="c", subcore_axis_name="s")
    k = pl.kernel(
        _sampler_body,
        out_type=jax.ShapeDtypeStruct((_ROWS_OUT, _D), jnp.float32),
        mesh=mesh,
        scratch_types=[
            pltpu.VMEM((_NCHUNK, _CHUNK), jnp.int32),
            pltpu.VMEM((_RPW, _D), jnp.float32),
            pltpu.SemaphoreType.DMA,
            pltpu.SemaphoreType.DMA,
        ],
    )
    return k(trip2d)


def kernel(trip):
    trip2d = trip.reshape(_B * _S, _D)
    out2d = _sampler(trip2d)
    return out2d.reshape(_B, _S // 2, _D)

# --- scband reference (transcript-rebuilt; emitter-appended) ---
"""Pipeline reference for scband-random-view-sampler-8495445311998 (READ-ONLY COPY).

The authoritative reference and input builder live on the scoring server;
editing this copy changes nothing except your own understanding.
"""

import jax, jax.numpy as jnp
import numpy as np

# RandomViewSampler stochastically picks one of {missing, khop, pass, subset} views.
# For a deterministic reference we fix the branch to the KHopSampler(jump=2, select=1)
# path (flag in [1/4, 2/4)), i.e. tensor[:, select-1::jump] = tensor[:, 0::2].

def setup_inputs(seed: int = 0) -> dict:
    key = jax.random.key(seed)
    trip = jax.random.normal(key, (16, 2048, 128), dtype=jnp.float32)
    return {"trip": trip}

def reference(trip):
    # KHopSampler with jump=2, select=1: strided slice along the sequence dim.
    out = trip[:, 0::2]
    return out

if __name__ == "__main__":
    import jax
    _d = setup_inputs()
    print(jax.jit(kernel)(*tuple(_d.values())))

</pallas_src>

<mosaic_0001>
#map = affine_map<(d0, d1) -> (0, 0)>
module attributes {stable_mosaic.version = 14 : i64} {
  func.func @_sampler_body(%arg0: i32, %arg1: i32, %arg2: memref<32768x128xf32, #tpu.memory_space<hbm>>, %arg3: memref<16384x128xf32, #tpu.memory_space<hbm>>, %arg4: memref<8x64xi32, #tpu.memory_space<vmem>>, %arg5: memref<512x128xf32, #tpu.memory_space<vmem>>, %arg6: memref<!tpu.dma_semaphore, #tpu.memory_space<semaphore_mem>>, %arg7: memref<!tpu.dma_semaphore, #tpu.memory_space<semaphore_mem>>) attributes {dimension_semantics = [#tpu.dimension_semantics<core_parallel>, #tpu.dimension_semantics<subcore_parallel>], iteration_bounds = array<i64: 2, 16>, scalar_prefetch = 0 : i64, scratch_operands = 4 : i64, tpu.core_type = #tpu.core_type<sc_vector_subcore>, window_params = [{transform_indices = #map}, {transform_indices = #map}]} {
    %mul3A = arith.constant 2 : i32
    %mul3A_0 = arith.muli %arg1, %mul3A : i32
    %add3A = arith.addi %mul3A_0, %arg0 : i32
    %mul3A_1 = arith.constant 512 : i32
    %mul3A_2 = arith.muli %add3A, %mul3A_1 : i32
    %iota3A = tpu.iota {dimensions = array<i32: 0>} : vector<16xi32>
    %add3A_3 = arith.constant 0 : i32
    %add3A_4 = arith.addi %mul3A_2, %add3A_3 : i32
    %add3A_5 = arith.constant 0 : i32
    %add3A_6 = arith.addi %add3A_4, %add3A_5 : i32
    %mul3A_7 = arith.constant 2 : i32
    %mul3A_8 = arith.muli %mul3A_7, %add3A_6 : i32
    %mul3A_9 = arith.constant 2 : i32
    %mul3A_10 = vector.broadcast %mul3A_9 : i32 to vector<16xi32>
    %mul3A_11 = arith.muli %mul3A_10, %iota3A : vector<16xi32>
    %add3A_12 = vector.broadcast %mul3A_8 : i32 to vector<16xi32>
    %add3A_13 = arith.addi %add3A_12, %mul3A_11 : vector<16xi32>
    %swap3A = arith.constant 0 : i32
    %swap3A_14 = arith.index_cast %swap3A : i32 to index
    %swap3A_15 = arith.constant 0 : index
    %swap3A_16 = tpu.vector_load %arg4[%swap3A_14, %swap3A_15] {strides = array<i32>} : memref<8x64xi32, #tpu.memory_space<vmem>>, vector<1x16xi32>,
    %swap3A_17 = vector.shape_cast %swap3A_16 : vector<1x16xi32> to vector<16xi32>
    %swap3A_18 = vector.shape_cast %add3A_13 : vector<16xi32> to vector<1x16xi32>
    tpu.vector_store %arg4[%swap3A_14, %swap3A_15], %swap3A_18 {strides = array<i32>} : memref<8x64xi32, #tpu.memory_space<vmem>>, vector<1x16xi32>,
    %add3A_19 = arith.constant 0 : i32
    %add3A_20 = arith.addi %mul3A_2, %add3A_19 : i32
    %add3A_21 = arith.constant 16 : i32
    %add3A_22 = arith.addi %add3A_20, %add3A_21 : i32
    %mul3A_23 = arith.constant 2 : i32
    %mul3A_24 = arith.muli %mul3A_23, %add3A_22 : i32
    %mul3A_25 = arith.constant 2 : i32
    %mul3A_26 = vector.broadcast %mul3A_25 : i32 to vector<16xi32>
    %mul3A_27 = arith.muli %mul3A_26, %iota3A : vector<16xi32>
    %add3A_28 = vector.broadcast %mul3A_24 : i32 to vector<16xi32>
    %add3A_29 = arith.addi %add3A_28, %mul3A_27 : vector<16xi32>
    %swap3A_30 = arith.constant 0 : i32
    %swap3A_31 = arith.index_cast %swap3A_30 : i32 to index
    %swap3A_32 = arith.constant 16 : index
    %swap3A_33 = tpu.vector_load %arg4[%swap3A_31, %swap3A_32] {strides = array<i32>} : memref<8x64xi32, #tpu.memory_space<vmem>>, vector<1x16xi32>,
    %swap3A_34 = vector.shape_cast %swap3A_33 : vector<1x16xi32> to vector<16xi32>
    %swap3A_35 = vector.shape_cast %add3A_29 : vector<16xi32> to vector<1x16xi32>
    tpu.vector_store %arg4[%swap3A_31, %swap3A_32], %swap3A_35 {strides = array<i32>} : memref<8x64xi32, #tpu.memory_space<vmem>>, vector<1x16xi32>,
    %add3A_36 = arith.constant 0 : i32
    %add3A_37 = arith.addi %mul3A_2, %add3A_36 : i32
    %add3A_38 = arith.constant 32 : i32
    %add3A_39 = arith.addi %add3A_37, %add3A_38 : i32
    %mul3A_40 = arith.constant 2 : i32
    %mul3A_41 = arith.muli %mul3A_40, %add3A_39 : i32
    %mul3A_42 = arith.constant 2 : i32
    %mul3A_43 = vector.broadcast %mul3A_42 : i32 to vector<16xi32>
    %mul3A_44 = arith.muli %mul3A_43, %iota3A : vector<16xi32>
    %add3A_45 = vector.broadcast %mul3A_41 : i32 to vector<16xi32>
    %add3A_46 = arith.addi %add3A_45, %mul3A_44 : vector<16xi32>
    %swap3A_47 = arith.constant 0 : i32
    %swap3A_48 = arith.index_cast %swap3A_47 : i32 to index
    %swap3A_49 = arith.constant 32 : index
    %swap3A_50 = tpu.vector_load %arg4[%swap3A_48, %swap3A_49] {strides = array<i32>} : memref<8x64xi32, #tpu.memory_space<vmem>>, vector<1x16xi32>,
    %swap3A_51 = vector.shape_cast %swap3A_50 : vector<1x16xi32> to vector<16xi32>
    %swap3A_52 = vector.shape_cast %add3A_46 : vector<16xi32> to vector<1x16xi32>
    tpu.vector_store %arg4[%swap3A_48, %swap3A_49], %swap3A_52 {strides = array<i32>} : memref<8x64xi32, #tpu.memory_space<vmem>>, vector<1x16xi32>,
    %add3A_53 = arith.constant 0 : i32
    %add3A_54 = arith.addi %mul3A_2, %add3A_53 : i32
    %add3A_55 = arith.constant 48 : i32
    %add3A_56 = arith.addi %add3A_54, %add3A_55 : i32
    %mul3A_57 = arith.constant 2 : i32
    %mul3A_58 = arith.muli %mul3A_57, %add3A_56 : i32
    %mul3A_59 = arith.constant 2 : i32
    %mul3A_60 = vector.broadcast %mul3A_59 : i32 to vector<16xi32>
    %mul3A_61 = arith.muli %mul3A_60, %iota3A : vector<16xi32>
    %add3A_62 = vector.broadcast %mul3A_58 : i32 to vector<16xi32>
    %add3A_63 = arith.addi %add3A_62, %mul3A_61 : vector<16xi32>
    %swap3A_64 = arith.constant 0 : i32
    %swap3A_65 = arith.index_cast %swap3A_64 : i32 to index
    %swap3A_66 = arith.constant 48 : index
    %swap3A_67 = tpu.vector_load %arg4[%swap3A_65, %swap3A_66] {strides = array<i32>} : memref<8x64xi32, #tpu.memory_space<vmem>>, vector<1x16xi32>,
    %swap3A_68 = vector.shape_cast %swap3A_67 : vector<1x16xi32> to vector<16xi32>
    %swap3A_69 = vector.shape_cast %add3A_63 : vector<16xi32> to vector<1x16xi32>
    tpu.vector_store %arg4[%swap3A_65, %swap3A_66], %swap3A_69 {strides = array<i32>} : memref<8x64xi32, #tpu.memory_space<vmem>>, vector<1x16xi32>,
    %add3A_70 = arith.constant 64 : i32
    %add3A_71 = arith.addi %mul3A_2, %add3A_70 : i32
    %add3A_72 = arith.constant 0 : i32
    %add3A_73 = arith.addi %add3A_71, %add3A_72 : i32
    %mul3A_74 = arith.constant 2 : i32
    %mul3A_75 = arith.muli %mul3A_74, %add3A_73 : i32
    %mul3A_76 = arith.constant 2 : i32
    %mul3A_77 = vector.broadcast %mul3A_76 : i32 to vector<16xi32>
    %mul3A_78 = arith.muli %mul3A_77, %iota3A : vector<16xi32>
    %add3A_79 = vector.broadcast %mul3A_75 : i32 to vector<16xi32>
    %add3A_80 = arith.addi %add3A_79, %mul3A_78 : vector<16xi32>
    %swap3A_81 = arith.constant 1 : i32
    %swap3A_82 = arith.index_cast %swap3A_81 : i32 to index
    %swap3A_83 = arith.constant 0 : index
    %swap3A_84 = tpu.vector_load %arg4[%swap3A_82, %swap3A_83] {strides = array<i32>} : memref<8x64xi32, #tpu.memory_space<vmem>>, vector<1x16xi32>,
    %swap3A_85 = vector.shape_cast %swap3A_84 : vector<1x16xi32> to vector<16xi32>
    %swap3A_86 = vector.shape_cast %add3A_80 : vector<16xi32> to vector<1x16xi32>
    tpu.vector_store %arg4[%swap3A_82, %swap3A_83], %swap3A_86 {strides = array<i32>} : memref<8x64xi32, #tpu.memory_space<vmem>>, vector<1x16xi32>,
    %add3A_87 = arith.constant 64 : i32
    %add3A_88 = arith.addi %mul3A_2, %add3A_87 : i32
    %add3A_89 = arith.constant 16 : i32
    %add3A_90 = arith.addi %add3A_88, %add3A_89 : i32
    %mul3A_91 = arith.constant 2 : i32
    %mul3A_92 = arith.muli %mul3A_91, %add3A_90 : i32
    %mul3A_93 = arith.constant 2 : i32
    %mul3A_94 = vector.broadcast %mul3A_93 : i32 to vector<16xi32>
    %mul3A_95 = arith.muli %mul3A_94, %iota3A : vector<16xi32>
    %add3A_96 = vector.broadcast %mul3A_92 : i32 to vector<16xi32>
    %add3A_97 = arith.addi %add3A_96, %mul3A_95 : vector<16xi32>
    %swap3A_98 = arith.constant 1 : i32
    %swap3A_99 = arith.index_cast %swap3A_98 : i32 to index
    %swap3A_100 = arith.constant 16 : index
    %swap3A_101 = tpu.vector_load %arg4[%swap3A_99, %swap3A_100] {strides = array<i32>} : memref<8x64xi32, #tpu.memory_space<vmem>>, vector<1x16xi32>,
    %swap3A_102 = vector.shape_cast %swap3A_101 : vector<1x16xi32> to vector<16xi32>
    %swap3A_103 = vector.shape_cast %add3A_97 : vector<16xi32> to vector<1x16xi32>
    tpu.vector_store %arg4[%swap3A_99, %swap3A_100], %swap3A_103 {strides = array<i32>} : memref<8x64xi32, #tpu.memory_space<vmem>>, vector<1x16xi32>,
    %add3A_104 = arith.constant 64 : i32
    %add3A_105 = arith.addi %mul3A_2, %add3A_104 : i32
    %add3A_106 = arith.constant 32 : i32
    %add3A_107 = arith.addi %add3A_105, %add3A_106 : i32
    %mul3A_108 = arith.constant 2 : i32
    %mul3A_109 = arith.muli %mul3A_108, %add3A_107 : i32
    %mul3A_110 = arith.constant 2 : i32
    %mul3A_111 = vector.broadcast %mul3A_110 : i32 to vector<16xi32>
    %mul3A_112 = arith.muli %mul3A_111, %iota3A : vector<16xi32>
    %add3A_113 = vector.broadcast %mul3A_109 : i32 to vector<16xi32>
    %add3A_114 = arith.addi %add3A_113, %mul3A_112 : vector<16xi32>
    %swap3A_115 = arith.constant 1 : i32
    %swap3A_116 = arith.index_cast %swap3A_115 : i32 to index
    %swap3A_117 = arith.constant 32 : index
    %swap3A_118 = tpu.vector_load %arg4[%swap3A_116, %swap3A_117] {strides = array<i32>} : memref<8x64xi32, #tpu.memory_space<vmem>>, vector<1x16xi32>,
    %swap3A_119 = vector.shape_cast %swap3A_118 : vector<1x16xi32> to vector<16xi32>
    %swap3A_120 = vector.shape_cast %add3A_114 : vector<16xi32> to vector<1x16xi32>
    tpu.vector_store %arg4[%swap3A_116, %swap3A_117], %swap3A_120 {strides = array<i32>} : memref<8x64xi32, #tpu.memory_space<vmem>>, vector<1x16xi32>,
    %add3A_121 = arith.constant 64 : i32
    %add3A_122 = arith.addi %mul3A_2, %add3A_121 : i32
    %add3A_123 = arith.constant 48 : i32
    %add3A_124 = arith.addi %add3A_122, %add3A_123 : i32
    %mul3A_125 = arith.constant 2 : i32
    %mul3A_126 = arith.muli %mul3A_125, %add3A_124 : i32
    %mul3A_127 = arith.constant 2 : i32
    %mul3A_128 = vector.broadcast %mul3A_127 : i32 to vector<16xi32>
    %mul3A_129 = arith.muli %mul3A_128, %iota3A : vector<16xi32>
    %add3A_130 = vector.broadcast %mul3A_126 : i32 to vector<16xi32>
    %add3A_131 = arith.addi %add3A_130, %mul3A_129 : vector<16xi32>
    %swap3A_132 = arith.constant 1 : i32
    %swap3A_133 = arith.index_cast %swap3A_132 : i32 to index
    %swap3A_134 = arith.constant 48 : index
    %swap3A_135 = tpu.vector_load %arg4[%swap3A_133, %swap3A_134] {strides = array<i32>} : memref<8x64xi32, #tpu.memory_space<vmem>>, vector<1x16xi32>,
    %swap3A_136 = vector.shape_cast %swap3A_135 : vector<1x16xi32> to vector<16xi32>
    %swap3A_137 = vector.shape_cast %add3A_131 : vector<16xi32> to vector<1x16xi32>
    tpu.vector_store %arg4[%swap3A_133, %swap3A_134], %swap3A_137 {strides = array<i32>} : memref<8x64xi32, #tpu.memory_space<vmem>>, vector<1x16xi32>,
    %add3A_138 = arith.constant 128 : i32
    %add3A_139 = arith.addi %mul3A_2, %add3A_138 : i32
    %add3A_140 = arith.constant 0 : i32
    %add3A_141 = arith.addi %add3A_139, %add3A_140 : i32
    %mul3A_142 = arith.constant 2 : i32
    %mul3A_143 = arith.muli %mul3A_142, %add3A_141 : i32
    %mul3A_144 = arith.constant 2 : i32
    %mul3A_145 = vector.broadcast %mul3A_144 : i32 to vector<16xi32>
    %mul3A_146 = arith.muli %mul3A_145, %iota3A : vector<16xi32>
    %add3A_147 = vector.broadcast %mul3A_143 : i32 to vector<16xi32>
    %add3A_148 = arith.addi %add3A_147, %mul3A_146 : vector<16xi32>
    %swap3A_149 = arith.constant 2 : i32
    %swap3A_150 = arith.index_cast %swap3A_149 : i32 to index
    %swap3A_151 = arith.constant 0 : index
    %swap3A_152 = tpu.vector_load %arg4[%swap3A_150, %swap3A_151] {strides = array<i32>} : memref<8x64xi32, #tpu.memory_space<vmem>>, vector<1x16xi32>,
    %swap3A_153 = vector.shape_cast %swap3A_152 : vector<1x16xi32> to vector<16xi32>
    %swap3A_154 = vector.shape_cast %add3A_148 : vector<16xi32> to vector<1x16xi32>
    tpu.vector_store %arg4[%swap3A_150, %swap3A_151], %swap3A_154 {strides = array<i32>} : memref<8x64xi32, #tpu.memory_space<vmem>>, vector<1x16xi32>,
    %add3A_155 = arith.constant 128 : i32
    %add3A_156 = arith.addi %mul3A_2, %add3A_155 : i32
    %add3A_157 = arith.constant 16 : i32
    %add3A_158 = arith.addi %add3A_156, %add3A_157 : i32
    %mul3A_159 = arith.constant 2 : i32
    %mul3A_160 = arith.muli %mul3A_159, %add3A_158 : i32
    %mul3A_161 = arith.constant 2 : i32
    %mul3A_162 = vector.broadcast %mul3A_161 : i32 to vector<16xi32>
    %mul3A_163 = arith.muli %mul3A_162, %iota3A : vector<16xi32>
    %add3A_164 = vector.broadcast %mul3A_160 : i32 to vector<16xi32>
    %add3A_165 = arith.addi %add3A_164, %mul3A_163 : vector<16xi32>
    %swap3A_166 = arith.constant 2 : i32
    %swap3A_167 = arith.index_cast %swap3A_166 : i32 to index
    %swap3A_168 = arith.constant 16 : index
    %swap3A_169 = tpu.vector_load %arg4[%swap3A_167, %swap3A_168] {strides = array<i32>} : memref<8x64xi32, #tpu.memory_space<vmem>>, vector<1x16xi32>,
    %swap3A_170 = vector.shape_cast %swap3A_169 : vector<1x16xi32> to vector<16xi32>
    %swap3A_171 = vector.shape_cast %add3A_165 : vector<16xi32> to vector<1x16xi32>
    tpu.vector_store %arg4[%swap3A_167, %swap3A_168], %swap3A_171 {strides = array<i32>} : memref<8x64xi32, #tpu.memory_space<vmem>>, vector<1x16xi32>,
    %add3A_172 = arith.constant 128 : i32
    %add3A_173 = arith.addi %mul3A_2, %add3A_172 : i32
    %add3A_174 = arith.constant 32 : i32
    %add3A_175 = arith.addi %add3A_173, %add3A_174 : i32
    %mul3A_176 = arith.constant 2 : i32
    %mul3A_177 = arith.muli %mul3A_176, %add3A_175 : i32
    %mul3A_178 = arith.constant 2 : i32
    %mul3A_179 = vector.broadcast %mul3A_178 : i32 to vector<16xi32>
    %mul3A_180 = arith.muli %mul3A_179, %iota3A : vector<16xi32>
    %add3A_181 = vector.broadcast %mul3A_177 : i32 to vector<16xi32>
    %add3A_182 = arith.addi %add3A_181, %mul3A_180 : vector<16xi32>
    %swap3A_183 = arith.constant 2 : i32
    %swap3A_184 = arith.index_cast %swap3A_183 : i32 to index
    %swap3A_185 = arith.constant 32 : index
    %swap3A_186 = tpu.vector_load %arg4[%swap3A_184, %swap3A_185] {strides = array<i32>} : memref<8x64xi32, #tpu.memory_space<vmem>>, vector<1x16xi32>,
    %swap3A_187 = vector.shape_cast %swap3A_186 : vector<1x16xi32> to vector<16xi32>
    %swap3A_188 = vector.shape_cast %add3A_182 : vector<16xi32> to vector<1x16xi32>
    tpu.vector_store %arg4[%swap3A_184, %swap3A_185], %swap3A_188 {strides = array<i32>} : memref<8x64xi32, #tpu.memory_space<vmem>>, vector<1x16xi32>,
    %add3A_189 = arith.constant 128 : i32
    %add3A_190 = arith.addi %mul3A_2, %add3A_189 : i32
    %add3A_191 = arith.constant 48 : i32
    %add3A_192 = arith.addi %add3A_190, %add3A_191 : i32
    %mul3A_193 = arith.constant 2 : i32
    %mul3A_194 = arith.muli %mul3A_193, %add3A_192 : i32
    %mul3A_195 = arith.constant 2 : i32
    %mul3A_196 = vector.broadcast %mul3A_195 : i32 to vector<16xi32>
    %mul3A_197 = arith.muli %mul3A_196, %iota3A : vector<16xi32>
    %add3A_198 = vector.broadcast %mul3A_194 : i32 to vector<16xi32>
    %add3A_199 = arith.addi %add3A_198, %mul3A_197 : vector<16xi32>
    %swap3A_200 = arith.constant 2 : i32
    %swap3A_201 = arith.index_cast %swap3A_200 : i32 to index
    %swap3A_202 = arith.constant 48 : index
    %swap3A_203 = tpu.vector_load %arg4[%swap3A_201, %swap3A_202] {strides = array<i32>} : memref<8x64xi32, #tpu.memory_space<vmem>>, vector<1x16xi32>,
    %swap3A_204 = vector.shape_cast %swap3A_203 : vector<1x16xi32> to vector<16xi32>
    %swap3A_205 = vector.shape_cast %add3A_199 : vector<16xi32> to vector<1x16xi32>
    tpu.vector_store %arg4[%swap3A_201, %swap3A_202], %swap3A_205 {strides = array<i32>} : memref<8x64xi32, #tpu.memory_space<vmem>>, vector<1x16xi32>,
    %add3A_206 = arith.constant 192 : i32
    %add3A_207 = arith.addi %mul3A_2, %add3A_206 : i32
    %add3A_208 = arith.constant 0 : i32
    %add3A_209 = arith.addi %add3A_207, %add3A_208 : i32
    %mul3A_210 = arith.constant 2 : i32
    %mul3A_211 = arith.muli %mul3A_210, %add3A_209 : i32
    %mul3A_212 = arith.constant 2 : i32
    %mul3A_213 = vector.broadcast %mul3A_212 : i32 to vector<16xi32>
    %mul3A_214 = arith.muli %mul3A_213, %iota3A : vector<16xi32>
    %add3A_215 = vector.broadcast %mul3A_211 : i32 to vector<16xi32>
    %add3A_216 = arith.addi %add3A_215, %mul3A_214 : vector<16xi32>
    %swap3A_217 = arith.constant 3 : i32
    %swap3A_218 = arith.index_cast %swap3A_217 : i32 to index
    %swap3A_219 = arith.constant 0 : index
    %swap3A_220 = tpu.vector_load %arg4[%swap3A_218, %swap3A_219] {strides = array<i32>} : memref<8x64xi32, #tpu.memory_space<vmem>>, vector<1x16xi32>,
    %swap3A_221 = vector.shape_cast %swap3A_220 : vector<1x16xi32> to vector<16xi32>
    %swap3A_222 = vector.shape_cast %add3A_216 : vector<16xi32> to vector<1x16xi32>
    tpu.vector_store %arg4[%swap3A_218, %swap3A_219], %swap3A_222 {strides = array<i32>} : memref<8x64xi32, #tpu.memory_space<vmem>>, vector<1x16xi32>,
    %add3A_223 = arith.constant 192 : i32
    %add3A_224 = arith.addi %mul3A_2, %add3A_223 : i32
    %add3A_225 = arith.constant 16 : i32
    %add3A_226 = arith.addi %add3A_224, %add3A_225 : i32
    %mul3A_227 = arith.constant 2 : i32
    %mul3A_228 = arith.muli %mul3A_227, %add3A_226 : i32
    %mul3A_229 = arith.constant 2 : i32
    %mul3A_230 = vector.broadcast %mul3A_229 : i32 to vector<16xi32>
    %mul3A_231 = arith.muli %mul3A_230, %iota3A : vector<16xi32>
    %add3A_232 = vector.broadcast %mul3A_228 : i32 to vector<16xi32>
    %add3A_233 = arith.addi %add3A_232, %mul3A_231 : vector<16xi32>
    %swap3A_234 = arith.constant 3 : i32
    %swap3A_235 = arith.index_cast %swap3A_234 : i32 to index
    %swap3A_236 = arith.constant 16 : index
    %swap3A_237 = tpu.vector_load %arg4[%swap3A_235, %swap3A_236] {strides = array<i32>} : memref<8x64xi32, #tpu.memory_space<vmem>>, vector<1x16xi32>,
    %swap3A_238 = vector.shape_cast %swap3A_237 : vector<1x16xi32> to vector<16xi32>
    %swap3A_239 = vector.shape_cast %add3A_233 : vector<16xi32> to vector<1x16xi32>
    tpu.vector_store %arg4[%swap3A_235, %swap3A_236], %swap3A_239 {strides = array<i32>} : memref<8x64xi32, #tpu.memory_space<vmem>>, vector<1x16xi32>,
    %add3A_240 = arith.constant 192 : i32
    %add3A_241 = arith.addi %mul3A_2, %add3A_240 : i32
    %add3A_242 = arith.constant 32 : i32
    %add3A_243 = arith.addi %add3A_241, %add3A_242 : i32
    %mul3A_244 = arith.constant 2 : i32
    %mul3A_245 = arith.muli %mul3A_244, %add3A_243 : i32
    %mul3A_246 = arith.constant 2 : i32
    %mul3A_247 = vector.broadcast %mul3A_246 : i32 to vector<16xi32>
    %mul3A_248 = arith.muli %mul3A_247, %iota3A : vector<16xi32>
    %add3A_249 = vector.broadcast %mul3A_245 : i32 to vector<16xi32>
    %add3A_250 = arith.addi %add3A_249, %mul3A_248 : vector<16xi32>
    %swap3A_251 = arith.constant 3 : i32
    %swap3A_252 = arith.index_cast %swap3A_251 : i32 to index
    %swap3A_253 = arith.constant 32 : index
    %swap3A_254 = tpu.vector_load %arg4[%swap3A_252, %swap3A_253] {strides = array<i32>} : memref<8x64xi32, #tpu.memory_space<vmem>>, vector<1x16xi32>,
    %swap3A_255 = vector.shape_cast %swap3A_254 : vector<1x16xi32> to vector<16xi32>
    %swap3A_256 = vector.shape_cast %add3A_250 : vector<16xi32> to vector<1x16xi32>
    tpu.vector_store %arg4[%swap3A_252, %swap3A_253], %swap3A_256 {strides = array<i32>} : memref<8x64xi32, #tpu.memory_space<vmem>>, vector<1x16xi32>,
    %add3A_257 = arith.constant 192 : i32
    %add3A_258 = arith.addi %mul3A_2, %add3A_257 : i32
    %add3A_259 = arith.constant 48 : i32
    %add3A_260 = arith.addi %add3A_258, %add3A_259 : i32
    %mul3A_261 = arith.constant 2 : i32
    %mul3A_262 = arith.muli %mul3A_261, %add3A_260 : i32
    %mul3A_263 = arith.constant 2 : i32
    %mul3A_264 = vector.broadcast %mul3A_263 : i32 to vector<16xi32>
    %mul3A_265 = arith.muli %mul3A_264, %iota3A : vector<16xi32>
    %add3A_266 = vector.broadcast %mul3A_262 : i32 to vector<16xi32>
    %add3A_267 = arith.addi %add3A_266, %mul3A_265 : vector<16xi32>
    %swap3A_268 = arith.constant 3 : i32
    %swap3A_269 = arith.index_cast %swap3A_268 : i32 to index
    %swap3A_270 = arith.constant 48 : index
    %swap3A_271 = tpu.vector_load %arg4[%swap3A_269, %swap3A_270] {strides = array<i32>} : memref<8x64xi32, #tpu.memory_space<vmem>>, vector<1x16xi32>,
    %swap3A_272 = vector.shape_cast %swap3A_271 : vector<1x16xi32> to vector<16xi32>
    %swap3A_273 = vector.shape_cast %add3A_267 : vector<16xi32> to vector<1x16xi32>
    tpu.vector_store %arg4[%swap3A_269, %swap3A_270], %swap3A_273 {strides = array<i32>} : memref<8x64xi32, #tpu.memory_space<vmem>>, vector<1x16xi32>,
    %add3A_274 = arith.constant 256 : i32
    %add3A_275 = arith.addi %mul3A_2, %add3A_274 : i32
    %add3A_276 = arith.constant 0 : i32
    %add3A_277 = arith.addi %add3A_275, %add3A_276 : i32
    %mul3A_278 = arith.constant 2 : i32
    %mul3A_279 = arith.muli %mul3A_278, %add3A_277 : i32
    %mul3A_280 = arith.constant 2 : i32
    %mul3A_281 = vector.broadcast %mul3A_280 : i32 to vector<16xi32>
    %mul3A_282 = arith.muli %mul3A_281, %iota3A : vector<16xi32>
    %add3A_283 = vector.broadcast %mul3A_279 : i32 to vector<16xi32>
    %add3A_284 = arith.addi %add3A_283, %mul3A_282 : vector<16xi32>
    %swap3A_285 = arith.constant 4 : i32
    %swap3A_286 = arith.index_cast %swap3A_285 : i32 to index
    %swap3A_287 = arith.constant 0 : index
    %swap3A_288 = tpu.vector_load %arg4[%swap3A_286, %swap3A_287] {strides = array<i32>} : memref<8x64xi32, #tpu.memory_space<vmem>>, vector<1x16xi32>,
    %swap3A_289 = vector.shape_cast %swap3A_288 : vector<1x16xi32> to vector<16xi32>
    %swap3A_290 = vector.shape_cast %add3A_284 : vector<16xi32> to vector<1x16xi32>
    tpu.vector_store %arg4[%swap3A_286, %swap3A_287], %swap3A_290 {strides = array<i32>} : memref<8x64xi32, #tpu.memory_space<vmem>>, vector<1x16xi32>,
    %add3A_291 = arith.constant 256 : i32
    %add3A_292 = arith.addi %mul3A_2, %add3A_291 : i32
    %add3A_293 = arith.constant 16 : i32
    %add3A_294 = arith.addi %add3A_292, %add3A_293 : i32
    %mul3A_295 = arith.constant 2 : i32
    %mul3A_296 = arith.muli %mul3A_295, %add3A_294 : i32
    %mul3A_297 = arith.constant 2 : i32
    %mul3A_298 = vector.broadcast %mul3A_297 : i32 to vector<16xi32>
    %mul3A_299 = arith.muli %mul3A_298, %iota3A : vector<16xi32>
    %add3A_300 = vector.broadcast %mul3A_296 : i32 to vector<16xi32>
    %add3A_301 = arith.addi %add3A_300, %mul3A_299 : vector<16xi32>
    %swap3A_302 = arith.constant 4 : i32
    %swap3A_303 = arith.index_cast %swap3A_302 : i32 to index
    %swap3A_304 = arith.constant 16 : index
    %swap3A_305 = tpu.vector_load %arg4[%swap3A_303, %swap3A_304] {strides = array<i32>} : memref<8x64xi32, #tpu.memory_space<vmem>>, vector<1x16xi32>,
    %swap3A_306 = vector.shape_cast %swap3A_305 : vector<1x16xi32> to vector<16xi32>
    %swap3A_307 = vector.shape_cast %add3A_301 : vector<16xi32> to vector<1x16xi32>
    tpu.vector_store %arg4[%swap3A_303, %swap3A_304], %swap3A_307 {strides = array<i32>} : memref<8x64xi32, #tpu.memory_space<vmem>>, vector<1x16xi32>,
    %add3A_308 = arith.constant 256 : i32
    %add3A_309 = arith.addi %mul3A_2, %add3A_308 : i32
    %add3A_310 = arith.constant 32 : i32
    %add3A_311 = arith.addi %add3A_309, %add3A_310 : i32
    %mul3A_312 = arith.constant 2 : i32
    %mul3A_313 = arith.muli %mul3A_312, %add3A_311 : i32
    %mul3A_314 = arith.constant 2 : i32
    %mul3A_315 = vector.broadcast %mul3A_314 : i32 to vector<16xi32>
    %mul3A_316 = arith.muli %mul3A_315, %iota3A : vector<16xi32>
    %add3A_317 = vector.broadcast %mul3A_313 : i32 to vector<16xi32>
    %add3A_318 = arith.addi %add3A_317, %mul3A_316 : vector<16xi32>
    %swap3A_319 = arith.constant 4 : i32
    %swap3A_320 = arith.index_cast %swap3A_319 : i32 to index
    %swap3A_321 = arith.constant 32 : index
    %swap3A_322 = tpu.vector_load %arg4[%swap3A_320, %swap3A_321] {strides = array<i32>} : memref<8x64xi32, #tpu.memory_space<vmem>>, vector<1x16xi32>,
    %swap3A_323 = vector.shape_cast %swap3A_322 : vector<1x16xi32> to vector<16xi32>
    %swap3A_324 = vector.shape_cast %add3A_318 : vector<16xi32> to vector<1x16xi32>
    tpu.vector_store %arg4[%swap3A_320, %swap3A_321], %swap3A_324 {strides = array<i32>} : memref<8x64xi32, #tpu.memory_space<vmem>>, vector<1x16xi32>,
    %add3A_325 = arith.constant 256 : i32
    %add3A_326 = arith.addi %mul3A_2, %add3A_325 : i32
    %add3A_327 = arith.constant 48 : i32
    %add3A_328 = arith.addi %add3A_326, %add3A_327 : i32
    %mul3A_329 = arith.constant 2 : i32
    %mul3A_330 = arith.muli %mul3A_329, %add3A_328 : i32
    %mul3A_331 = arith.constant 2 : i32
    %mul3A_332 = vector.broadcast %mul3A_331 : i32 to vector<16xi32>
    %mul3A_333 = arith.muli %mul3A_332, %iota3A : vector<16xi32>
    %add3A_334 = vector.broadcast %mul3A_330 : i32 to vector<16xi32>
    %add3A_335 = arith.addi %add3A_334, %mul3A_333 : vector<16xi32>
    %swap3A_336 = arith.constant 4 : i32
    %swap3A_337 = arith.index_cast %swap3A_336 : i32 to index
    %swap3A_338 = arith.constant 48 : index
    %swap3A_339 = tpu.vector_load %arg4[%swap3A_337, %swap3A_338] {strides = array<i32>} : memref<8x64xi32, #tpu.memory_space<vmem>>, vector<1x16xi32>,
    %swap3A_340 = vector.shape_cast %swap3A_339 : vector<1x16xi32> to vector<16xi32>
    %swap3A_341 = vector.shape_cast %add3A_335 : vector<16xi32> to vector<1x16xi32>
    tpu.vector_store %arg4[%swap3A_337, %swap3A_338], %swap3A_341 {strides = array<i32>} : memref<8x64xi32, #tpu.memory_space<vmem>>, vector<1x16xi32>,
    %add3A_342 = arith.constant 320 : i32
    %add3A_343 = arith.addi %mul3A_2, %add3A_342 : i32
    %add3A_344 = arith.constant 0 : i32
    %add3A_345 = arith.addi %add3A_343, %add3A_344 : i32
    %mul3A_346 = arith.constant 2 : i32
    %mul3A_347 = arith.muli %mul3A_346, %add3A_345 : i32
    %mul3A_348 = arith.constant 2 : i32
    %mul3A_349 = vector.broadcast %mul3A_348 : i32 to vector<16xi32>
    %mul3A_350 = arith.muli %mul3A_349, %iota3A : vector<16xi32>
    %add3A_351 = vector.broadcast %mul3A_347 : i32 to vector<16xi32>
    %add3A_352 = arith.addi %add3A_351, %mul3A_350 : vector<16xi32>
    %swap3A_353 = arith.constant 5 : i32
    %swap3A_354 = arith.index_cast %swap3A_353 : i32 to index
    %swap3A_355 = arith.constant 0 : index
    %swap3A_356 = tpu.vector_load %arg4[%swap3A_354, %swap3A_355] {strides = array<i32>} : memref<8x64xi32, #tpu.memory_space<vmem>>, vector<1x16xi32>,
    %swap3A_357 = vector.shape_cast %swap3A_356 : vector<1x16xi32> to vector<16xi32>
    %swap3A_358 = vector.shape_cast %add3A_352 : vector<16xi32> to vector<1x16xi32>
    tpu.vector_store %arg4[%swap3A_354, %swap3A_355], %swap3A_358 {strides = array<i32>} : memref<8x64xi32, #tpu.memory_space<vmem>>, vector<1x16xi32>,
    %add3A_359 = arith.constant 320 : i32
    %add3A_360 = arith.addi %mul3A_2, %add3A_359 : i32
    %add3A_361 = arith.constant 16 : i32
    %add3A_362 = arith.addi %add3A_360, %add3A_361 : i32
    %mul3A_363 = arith.constant 2 : i32
    %mul3A_364 = arith.muli %mul3A_363, %add3A_362 : i32
    %mul3A_365 = arith.constant 2 : i32
    %mul3A_366 = vector.broadcast %mul3A_365 : i32 to vector<16xi32>
    %mul3A_367 = arith.muli %mul3A_366, %iota3A : vector<16xi32>
    %add3A_368 = vector.broadcast %mul3A_364 : i32 to vector<16xi32>
    %add3A_369 = arith.addi %add3A_368, %mul3A_367 : vector<16xi32>
    %swap3A_370 = arith.constant 5 : i32
    %swap3A_371 = arith.index_cast %swap3A_370 : i32 to index
    %swap3A_372 = arith.constant 16 : index
    %swap3A_373 = tpu.vector_load %arg4[%swap3A_371, %swap3A_372] {strides = array<i32>} : memref<8x64xi32, #tpu.memory_space<vmem>>, vector<1x16xi32>,
    %swap3A_374 = vector.shape_cast %swap3A_373 : vector<1x16xi32> to vector<16xi32>
    %swap3A_375 = vector.shape_cast %add3A_369 : vector<16xi32> to vector<1x16xi32>
    tpu.vector_store %arg4[%swap3A_371, %swap3A_372], %swap3A_375 {strides = array<i32>} : memref<8x64xi32, #tpu.memory_space<vmem>>, vector<1x16xi32>,
    %add3A_376 = arith.constant 320 : i32
    %add3A_377 = arith.addi %mul3A_2, %add3A_376 : i32
    %add3A_378 = arith.constant 32 : i32
    %add3A_379 = arith.addi %add3A_377, %add3A_378 : i32
    %mul3A_380 = arith.constant 2 : i32
    %mul3A_381 = arith.muli %mul3A_380, %add3A_379 : i32
    %mul3A_382 = arith.constant 2 : i32
    %mul3A_383 = vector.broadcast %mul3A_382 : i32 to vector<16xi32>
    %mul3A_384 = arith.muli %mul3A_383, %iota3A : vector<16xi32>
    %add3A_385 = vector.broadcast %mul3A_381 : i32 to vector<16xi32>
    %add3A_386 = arith.addi %add3A_385, %mul3A_384 : vector<16xi32>
    %swap3A_387 = arith.constant 5 : i32
    %swap3A_388 = arith.index_cast %swap3A_387 : i32 to index
    %swap3A_389 = arith.constant 32 : index
    %swap3A_390 = tpu.vector_load %arg4[%swap3A_388, %swap3A_389] {strides = array<i32>} : memref<8x64xi32, #tpu.memory_space<vmem>>, vector<1x16xi32>,
    %swap3A_391 = vector.shape_cast %swap3A_390 : vector<1x16xi32> to vector<16xi32>
    %swap3A_392 = vector.shape_cast %add3A_386 : vector<16xi32> to vector<1x16xi32>
    tpu.vector_store %arg4[%swap3A_388, %swap3A_389], %swap3A_392 {strides = array<i32>} : memref<8x64xi32, #tpu.memory_space<vmem>>, vector<1x16xi32>,
    %add3A_393 = arith.constant 320 : i32
    %add3A_394 = arith.addi %mul3A_2, %add3A_393 : i32
    %add3A_395 = arith.constant 48 : i32
    %add3A_396 = arith.addi %add3A_394, %add3A_395 : i32
    %mul3A_397 = arith.constant 2 : i32
    %mul3A_398 = arith.muli %mul3A_397, %add3A_396 : i32
    %mul3A_399 = arith.constant 2 : i32
    %mul3A_400 = vector.broadcast %mul3A_399 : i32 to vector<16xi32>
    %mul3A_401 = arith.muli %mul3A_400, %iota3A : vector<16xi32>
    %add3A_402 = vector.broadcast %mul3A_398 : i32 to vector<16xi32>
    %add3A_403 = arith.addi %add3A_402, %mul3A_401 : vector<16xi32>
    %swap3A_404 = arith.constant 5 : i32
    %swap3A_405 = arith.index_cast %swap3A_404 : i32 to index
    %swap3A_406 = arith.constant 48 : index
    %swap3A_407 = tpu.vector_load %arg4[%swap3A_405, %swap3A_406] {strides = array<i32>} : memref<8x64xi32, #tpu.memory_space<vmem>>, vector<1x16xi32>,
    %swap3A_408 = vector.shape_cast %swap3A_407 : vector<1x16xi32> to vector<16xi32>
    %swap3A_409 = vector.shape_cast %add3A_403 : vector<16xi32> to vector<1x16xi32>
    tpu.vector_store %arg4[%swap3A_405, %swap3A_406], %swap3A_409 {strides = array<i32>} : memref<8x64xi32, #tpu.memory_space<vmem>>, vector<1x16xi32>,
    %add3A_410 = arith.constant 384 : i32
    %add3A_411 = arith.addi %mul3A_2, %add3A_410 : i32
    %add3A_412 = arith.constant 0 : i32
    %add3A_413 = arith.addi %add3A_411, %add3A_412 : i32
    %mul3A_414 = arith.constant 2 : i32
    %mul3A_415 = arith.muli %mul3A_414, %add3A_413 : i32
    %mul3A_416 = arith.constant 2 : i32
    %mul3A_417 = vector.broadcast %mul3A_416 : i32 to vector<16xi32>
    %mul3A_418 = arith.muli %mul3A_417, %iota3A : vector<16xi32>
    %add3A_419 = vector.broadcast %mul3A_415 : i32 to vector<16xi32>
    %add3A_420 = arith.addi %add3A_419, %mul3A_418 : vector<16xi32>
    %swap3A_421 = arith.constant 6 : i32
    %swap3A_422 = arith.index_cast %swap3A_421 : i32 to index
    %swap3A_423 = arith.constant 0 : index
    %swap3A_424 = tpu.vector_load %arg4[%swap3A_422, %swap3A_423] {strides = array<i32>} : memref<8x64xi32, #tpu.memory_space<vmem>>, vector<1x16xi32>,
    %swap3A_425 = vector.shape_cast %swap3A_424 : vector<1x16xi32> to vector<16xi32>
    %swap3A_426 = vector.shape_cast %add3A_420 : vector<16xi32> to vector<1x16xi32>
    tpu.vector_store %arg4[%swap3A_422, %swap3A_423], %swap3A_426 {strides = array<i32>} : memref<8x64xi32, #tpu.memory_space<vmem>>, vector<1x16xi32>,
    %add3A_427 = arith.constant 384 : i32
    %add3A_428 = arith.addi %mul3A_2, %add3A_427 : i32
    %add3A_429 = arith.constant 16 : i32
    %add3A_430 = arith.addi %add3A_428, %add3A_429 : i32
    %mul3A_431 = arith.constant 2 : i32
    %mul3A_432 = arith.muli %mul3A_431, %add3A_430 : i32
    %mul3A_433 = arith.constant 2 : i32
    %mul3A_434 = vector.broadcast %mul3A_433 : i32 to vector<16xi32>
    %mul3A_435 = arith.muli %mul3A_434, %iota3A : vector<16xi32>
    %add3A_436 = vector.broadcast %mul3A_432 : i32 to vector<16xi32>
    %add3A_437 = arith.addi %add3A_436, %mul3A_435 : vector<16xi32>
    %swap3A_438 = arith.constant 6 : i32
    %swap3A_439 = arith.index_cast %swap3A_438 : i32 to index
    %swap3A_440 = arith.constant 16 : index
    %swap3A_441 = tpu.vector_load %arg4[%swap3A_439, %swap3A_440] {strides = array<i32>} : memref<8x64xi32, #tpu.memory_space<vmem>>, vector<1x16xi32>,
    %swap3A_442 = vector.shape_cast %swap3A_441 : vector<1x16xi32> to vector<16xi32>
    %swap3A_443 = vector.shape_cast %add3A_437 : vector<16xi32> to vector<1x16xi32>
    tpu.vector_store %arg4[%swap3A_439, %swap3A_440], %swap3A_443 {strides = array<i32>} : memref<8x64xi32, #tpu.memory_space<vmem>>, vector<1x16xi32>,
    %add3A_444 = arith.constant 384 : i32
    %add3A_445 = arith.addi %mul3A_2, %add3A_444 : i32
    %add3A_446 = arith.constant 32 : i32
    %add3A_447 = arith.addi %add3A_445, %add3A_446 : i32
    %mul3A_448 = arith.constant 2 : i32
    %mul3A_449 = arith.muli %mul3A_448, %add3A_447 : i32
    %mul3A_450 = arith.constant 2 : i32
    %mul3A_451 = vector.broadcast %mul3A_450 : i32 to vector<16xi32>
    %mul3A_452 = arith.muli %mul3A_451, %iota3A : vector<16xi32>
    %add3A_453 = vector.broadcast %mul3A_449 : i32 to vector<16xi32>
    %add3A_454 = arith.addi %add3A_453, %mul3A_452 : vector<16xi32>
    %swap3A_455 = arith.constant 6 : i32
    %swap3A_456 = arith.index_cast %swap3A_455 : i32 to index
    %swap3A_457 = arith.constant 32 : index
    %swap3A_458 = tpu.vector_load %arg4[%swap3A_456, %swap3A_457] {strides = array<i32>} : memref<8x64xi32, #tpu.memory_space<vmem>>, vector<1x16xi32>,
    %swap3A_459 = vector.shape_cast %swap3A_458 : vector<1x16xi32> to vector<16xi32>
    %swap3A_460 = vector.shape_cast %add3A_454 : vector<16xi32> to vector<1x16xi32>
    tpu.vector_store %arg4[%swap3A_456, %swap3A_457], %swap3A_460 {strides = array<i32>} : memref<8x64xi32, #tpu.memory_space<vmem>>, vector<1x16xi32>,
    %add3A_461 = arith.constant 384 : i32
    %add3A_462 = arith.addi %mul3A_2, %add3A_461 : i32
    %add3A_463 = arith.constant 48 : i32
    %add3A_464 = arith.addi %add3A_462, %add3A_463 : i32
    %mul3A_465 = arith.constant 2 : i32
    %mul3A_466 = arith.muli %mul3A_465, %add3A_464 : i32
    %mul3A_467 = arith.constant 2 : i32
    %mul3A_468 = vector.broadcast %mul3A_467 : i32 to vector<16xi32>
    %mul3A_469 = arith.muli %mul3A_468, %iota3A : vector<16xi32>
    %add3A_470 = vector.broadcast %mul3A_466 : i32 to vector<16xi32>
    %add3A_471 = arith.addi %add3A_470, %mul3A_469 : vector<16xi32>
    %swap3A_472 = arith.constant 6 : i32
    %swap3A_473 = arith.index_cast %swap3A_472 : i32 to index
    %swap3A_474 = arith.constant 48 : index
    %swap3A_475 = tpu.vector_load %arg4[%swap3A_473, %swap3A_474] {strides = array<i32>} : memref<8x64xi32, #tpu.memory_space<vmem>>, vector<1x16xi32>,
    %swap3A_476 = vector.shape_cast %swap3A_475 : vector<1x16xi32> to vector<16xi32>
    %swap3A_477 = vector.shape_cast %add3A_471 : vector<16xi32> to vector<1x16xi32>
    tpu.vector_store %arg4[%swap3A_473, %swap3A_474], %swap3A_477 {strides = array<i32>} : memref<8x64xi32, #tpu.memory_space<vmem>>, vector<1x16xi32>,
    %add3A_478 = arith.constant 448 : i32
    %add3A_479 = arith.addi %mul3A_2, %add3A_478 : i32
    %add3A_480 = arith.constant 0 : i32
    %add3A_481 = arith.addi %add3A_479, %add3A_480 : i32
    %mul3A_482 = arith.constant 2 : i32
    %mul3A_483 = arith.muli %mul3A_482, %add3A_481 : i32
    %mul3A_484 = arith.constant 2 : i32
    %mul3A_485 = vector.broadcast %mul3A_484 : i32 to vector<16xi32>
    %mul3A_486 = arith.muli %mul3A_485, %iota3A : vector<16xi32>
    %add3A_487 = vector.broadcast %mul3A_483 : i32 to vector<16xi32>
    %add3A_488 = arith.addi %add3A_487, %mul3A_486 : vector<16xi32>
    %swap3A_489 = arith.constant 7 : i32
    %swap3A_490 = arith.index_cast %swap3A_489 : i32 to index
    %swap3A_491 = arith.constant 0 : index
    %swap3A_492 = tpu.vector_load %arg4[%swap3A_490, %swap3A_491] {strides = array<i32>} : memref<8x64xi32, #tpu.memory_space<vmem>>, vector<1x16xi32>,
    %swap3A_493 = vector.shape_cast %swap3A_492 : vector<1x16xi32> to vector<16xi32>
    %swap3A_494 = vector.shape_cast %add3A_488 : vector<16xi32> to vector<1x16xi32>
    tpu.vector_store %arg4[%swap3A_490, %swap3A_491], %swap3A_494 {strides = array<i32>} : memref<8x64xi32, #tpu.memory_space<vmem>>, vector<1x16xi32>,
    %add3A_495 = arith.constant 448 : i32
    %add3A_496 = arith.addi %mul3A_2, %add3A_495 : i32
    %add3A_497 = arith.constant 16 : i32
    %add3A_498 = arith.addi %add3A_496, %add3A_497 : i32
    %mul3A_499 = arith.constant 2 : i32
    %mul3A_500 = arith.muli %mul3A_499, %add3A_498 : i32
    %mul3A_501 = arith.constant 2 : i32
    %mul3A_502 = vector.broadcast %mul3A_501 : i32 to vector<16xi32>
    %mul3A_503 = arith.muli %mul3A_502, %iota3A : vector<16xi32>
    %add3A_504 = vector.broadcast %mul3A_500 : i32 to vector<16xi32>
    %add3A_505 = arith.addi %add3A_504, %mul3A_503 : vector<16xi32>
    %swap3A_506 = arith.constant 7 : i32
    %swap3A_507 = arith.index_cast %swap3A_506 : i32 to index
    %swap3A_508 = arith.constant 16 : index
    %swap3A_509 = tpu.vector_load %arg4[%swap3A_507, %swap3A_508] {strides = array<i32>} : memref<8x64xi32, #tpu.memory_space<vmem>>, vector<1x16xi32>,
    %swap3A_510 = vector.shape_cast %swap3A_509 : vector<1x16xi32> to vector<16xi32>
    %swap3A_511 = vector.shape_cast %add3A_505 : vector<16xi32> to vector<1x16xi32>
    tpu.vector_store %arg4[%swap3A_507, %swap3A_508], %swap3A_511 {strides = array<i32>} : memref<8x64xi32, #tpu.memory_space<vmem>>, vector<1x16xi32>,
    %add3A_512 = arith.constant 448 : i32
    %add3A_513 = arith.addi %mul3A_2, %add3A_512 : i32
    %add3A_514 = arith.constant 32 : i32
    %add3A_515 = arith.addi %add3A_513, %add3A_514 : i32
    %mul3A_516 = arith.constant 2 : i32
    %mul3A_517 = arith.muli %mul3A_516, %add3A_515 : i32
    %mul3A_518 = arith.constant 2 : i32
    %mul3A_519 = vector.broadcast %mul3A_518 : i32 to vector<16xi32>
    %mul3A_520 = arith.muli %mul3A_519, %iota3A : vector<16xi32>
    %add3A_521 = vector.broadcast %mul3A_517 : i32 to vector<16xi32>
    %add3A_522 = arith.addi %add3A_521, %mul3A_520 : vector<16xi32>
    %swap3A_523 = arith.constant 7 : i32
    %swap3A_524 = arith.index_cast %swap3A_523 : i32 to index
    %swap3A_525 = arith.constant 32 : index
    %swap3A_526 = tpu.vector_load %arg4[%swap3A_524, %swap3A_525] {strides = array<i32>} : memref<8x64xi32, #tpu.memory_space<vmem>>, vector<1x16xi32>,
    %swap3A_527 = vector.shape_cast %swap3A_526 : vector<1x16xi32> to vector<16xi32>
    %swap3A_528 = vector.shape_cast %add3A_522 : vector<16xi32> to vector<1x16xi32>
    tpu.vector_store %arg4[%swap3A_524, %swap3A_525], %swap3A_528 {strides = array<i32>} : memref<8x64xi32, #tpu.memory_space<vmem>>, vector<1x16xi32>,
    %add3A_529 = arith.constant 448 : i32
    %add3A_530 = arith.addi %mul3A_2, %add3A_529 : i32
    %add3A_531 = arith.constant 48 : i32
    %add3A_532 = arith.addi %add3A_530, %add3A_531 : i32
    %mul3A_533 = arith.constant 2 : i32
    %mul3A_534 = arith.muli %mul3A_533, %add3A_532 : i32
    %mul3A_535 = arith.constant 2 : i32
    %mul3A_536 = vector.broadcast %mul3A_535 : i32 to vector<16xi32>
    %mul3A_537 = arith.muli %mul3A_536, %iota3A : vector<16xi32>
    %add3A_538 = vector.broadcast %mul3A_534 : i32 to vector<16xi32>
    %add3A_539 = arith.addi %add3A_538, %mul3A_537 : vector<16xi32>
    %swap3A_540 = arith.constant 7 : i32
    %swap3A_541 = arith.index_cast %swap3A_540 : i32 to index
    %swap3A_542 = arith.constant 48 : index
    %swap3A_543 = tpu.vector_load %arg4[%swap3A_541, %swap3A_542] {strides = array<i32>} : memref<8x64xi32, #tpu.memory_space<vmem>>, vector<1x16xi32>,
    %swap3A_544 = vector.shape_cast %swap3A_543 : vector<1x16xi32> to vector<16xi32>
    %swap3A_545 = vector.shape_cast %add3A_539 : vector<16xi32> to vector<1x16xi32>
    tpu.vector_store %arg4[%swap3A_541, %swap3A_542], %swap3A_545 {strides = array<i32>} : memref<8x64xi32, #tpu.memory_space<vmem>>, vector<1x16xi32>,
    %dma_start3A = arith.constant 0 : i32
    %dma_start3A_546 = arith.constant 0 : i32
    %dma_start3A_547 = arith.constant 0 : i32
    %dma_start3A_548 = tpu.memref_slice %arg5[%dma_start3A_546, %dma_start3A_547] : memref<512x128xf32, #tpu.memory_space<vmem>> -> memref<64x128xf32, #tpu.memory_space<vmem>>
    %dma_start3A_549 = arith.constant 0 : i32
    %dma_start3A_550 = tpu.memref_slice %arg4[%dma_start3A, %dma_start3A_549] : memref<8x64xi32, #tpu.memory_space<vmem>> -> memref<1x64xi32, #tpu.memory_space<vmem>>
    %dma_start3A_551 = tpu.memref_squeeze %dma_start3A_550 : memref<1x64xi32, #tpu.memory_space<vmem>> -> memref<64xi32, #tpu.memory_space<vmem>>
    %dma_start3A_552 = arith.constant 0 : i32
    %dma_start3A_553 = arith.constant 0 : i32
    %dma_start3A_554 = tpu.memref_slice %arg2[%dma_start3A_552, %dma_start3A_553] : memref<32768x128xf32, #tpu.memory_space<hbm>> -> memref<32768x128xf32, #tpu.memory_space<hbm>>
    tpu.enqueue_indirect_dma source(%dma_start3A_554 : memref<32768x128xf32, #tpu.memory_space<hbm>>) target(%dma_start3A_548 : memref<64x128xf32, #tpu.memory_space<vmem>>) offsets(%dma_start3A_551 : memref<64xi32, #tpu.memory_space<vmem>>) semaphore(%arg6 : memref<!tpu.dma_semaphore, #tpu.memory_space<semaphore_mem>>)
    %dma_start3A_555 = arith.constant 1 : i32
    %dma_start3A_556 = arith.constant 64 : i32
    %dma_start3A_557 = arith.constant 0 : i32
    %dma_start3A_558 = tpu.memref_slice %arg5[%dma_start3A_556, %dma_start3A_557] : memref<512x128xf32, #tpu.memory_space<vmem>> -> memref<64x128xf32, #tpu.memory_space<vmem>>
    %dma_start3A_559 = arith.constant 0 : i32
    %dma_start3A_560 = tpu.memref_slice %arg4[%dma_start3A_555, %dma_start3A_559] : memref<8x64xi32, #tpu.memory_space<vmem>> -> memref<1x64xi32, #tpu.memory_space<vmem>>
    %dma_start3A_561 = tpu.memref_squeeze %dma_start3A_560 : memref<1x64xi32, #tpu.memory_space<vmem>> -> memref<64xi32, #tpu.memory_space<vmem>>
    %dma_start3A_562 = arith.constant 0 : i32
    %dma_start3A_563 = arith.constant 0 : i32
    %dma_start3A_564 = tpu.memref_slice %arg2[%dma_start3A_562, %dma_start3A_563] : memref<32768x128xf32, #tpu.memory_space<hbm>> -> memref<32768x128xf32, #tpu.memory_space<hbm>>
    tpu.enqueue_indirect_dma source(%dma_start3A_564 : memref<32768x128xf32, #tpu.memory_space<hbm>>) target(%dma_start3A_558 : memref<64x128xf32, #tpu.memory_space<vmem>>) offsets(%dma_start3A_561 : memref<64xi32, #tpu.memory_space<vmem>>) semaphore(%arg6 : memref<!tpu.dma_semaphore, #tpu.memory_space<semaphore_mem>>)
    %dma_start3A_565 = arith.constant 2 : i32
    %dma_start3A_566 = arith.constant 128 : i32
    %dma_start3A_567 = arith.constant 0 : i32
    %dma_start3A_568 = tpu.memref_slice %arg5[%dma_start3A_566, %dma_start3A_567] : memref<512x128xf32, #tpu.memory_space<vmem>> -> memref<64x128xf32, #tpu.memory_space<vmem>>
    %dma_start3A_569 = arith.constant 0 : i32
    %dma_start3A_570 = tpu.memref_slice %arg4[%dma_start3A_565, %dma_start3A_569] : memref<8x64xi32, #tpu.memory_space<vmem>> -> memref<1x64xi32, #tpu.memory_space<vmem>>
    %dma_start3A_571 = tpu.memref_squeeze %dma_start3A_570 : memref<1x64xi32, #tpu.memory_space<vmem>> -> memref<64xi32, #tpu.memory_space<vmem>>
    %dma_start3A_572 = arith.constant 0 : i32
    %dma_start3A_573 = arith.constant 0 : i32
    %dma_start3A_574 = tpu.memref_slice %arg2[%dma_start3A_572, %dma_start3A_573] : memref<32768x128xf32, #tpu.memory_space<hbm>> -> memref<32768x128xf32, #tpu.memory_space<hbm>>
    tpu.enqueue_indirect_dma source(%dma_start3A_574 : memref<32768x128xf32, #tpu.memory_space<hbm>>) target(%dma_start3A_568 : memref<64x128xf32, #tpu.memory_space<vmem>>) offsets(%dma_start3A_571 : memref<64xi32, #tpu.memory_space<vmem>>) semaphore(%arg6 : memref<!tpu.dma_semaphore, #tpu.memory_space<semaphore_mem>>)
    %dma_start3A_575 = arith.constant 3 : i32
    %dma_start3A_576 = arith.constant 192 : i32
    %dma_start3A_577 = arith.constant 0 : i32
    %dma_start3A_578 = tpu.memref_slice %arg5[%dma_start3A_576, %dma_start3A_577] : memref<512x128xf32, #tpu.memory_space<vmem>> -> memref<64x128xf32, #tpu.memory_space<vmem>>
    %dma_start3A_579 = arith.constant 0 : i32
    %dma_start3A_580 = tpu.memref_slice %arg4[%dma_start3A_575, %dma_start3A_579] : memref<8x64xi32, #tpu.memory_space<vmem>> -> memref<1x64xi32, #tpu.memory_space<vmem>>
    %dma_start3A_581 = tpu.memref_squeeze %dma_start3A_580 : memref<1x64xi32, #tpu.memory_space<vmem>> -> memref<64xi32, #tpu.memory_space<vmem>>
    %dma_start3A_582 = arith.constant 0 : i32
    %dma_start3A_583 = arith.constant 0 : i32
    %dma_start3A_584 = tpu.memref_slice %arg2[%dma_start3A_582, %dma_start3A_583] : memref<32768x128xf32, #tpu.memory_space<hbm>> -> memref<32768x128xf32, #tpu.memory_space<hbm>>
    tpu.enqueue_indirect_dma source(%dma_start3A_584 : memref<32768x128xf32, #tpu.memory_space<hbm>>) target(%dma_start3A_578 : memref<64x128xf32, #tpu.memory_space<vmem>>) offsets(%dma_start3A_581 : memref<64xi32, #tpu.memory_space<vmem>>) semaphore(%arg6 : memref<!tpu.dma_semaphore, #tpu.memory_space<semaphore_mem>>)
    %dma_start3A_585 = arith.constant 4 : i32
    %dma_start3A_586 = arith.constant 256 : i32
    %dma_start3A_587 = arith.constant 0 : i32
    %dma_start3A_588 = tpu.memref_slice %arg5[%dma_start3A_586, %dma_start3A_587] : memref<512x128xf32, #tpu.memory_space<vmem>> -> memref<64x128xf32, #tpu.memory_space<vmem>>
    %dma_start3A_589 = arith.constant 0 : i32
    %dma_start3A_590 = tpu.memref_slice %arg4[%dma_start3A_585, %dma_start3A_589] : memref<8x64xi32, #tpu.memory_space<vmem>> -> memref<1x64xi32, #tpu.memory_space<vmem>>
    %dma_start3A_591 = tpu.memref_squeeze %dma_start3A_590 : memref<1x64xi32, #tpu.memory_space<vmem>> -> memref<64xi32, #tpu.memory_space<vmem>>
    %dma_start3A_592 = arith.constant 0 : i32
    %dma_start3A_593 = arith.constant 0 : i32
    %dma_start3A_594 = tpu.memref_slice %arg2[%dma_start3A_592, %dma_start3A_593] : memref<32768x128xf32, #tpu.memory_space<hbm>> -> memref<32768x128xf32, #tpu.memory_space<hbm>>
    tpu.enqueue_indirect_dma source(%dma_start3A_594 : memref<32768x128xf32, #tpu.memory_space<hbm>>) target(%dma_start3A_588 : memref<64x128xf32, #tpu.memory_space<vmem>>) offsets(%dma_start3A_591 : memref<64xi32, #tpu.memory_space<vmem>>) semaphore(%arg6 : memref<!tpu.dma_semaphore, #tpu.memory_space<semaphore_mem>>)
    %dma_start3A_595 = arith.constant 5 : i32
    %dma_start3A_596 = arith.constant 320 : i32
    %dma_start3A_597 = arith.constant 0 : i32
    %dma_start3A_598 = tpu.memref_slice %arg5[%dma_start3A_596, %dma_start3A_597] : memref<512x128xf32, #tpu.memory_space<vmem>> -> memref<64x128xf32, #tpu.memory_space<vmem>>
    %dma_start3A_599 = arith.constant 0 : i32
    %dma_start3A_600 = tpu.memref_slice %arg4[%dma_start3A_595, %dma_start3A_599] : memref<8x64xi32, #tpu.memory_space<vmem>> -> memref<1x64xi32, #tpu.memory_space<vmem>>
    %dma_start3A_601 = tpu.memref_squeeze %dma_start3A_600 : memref<1x64xi32, #tpu.memory_space<vmem>> -> memref<64xi32, #tpu.memory_space<vmem>>
    %dma_start3A_602 = arith.constant 0 : i32
    %dma_start3A_603 = arith.constant 0 : i32
    %dma_start3A_604 = tpu.memref_slice %arg2[%dma_start3A_602, %dma_start3A_603] : memref<32768x128xf32, #tpu.memory_space<hbm>> -> memref<32768x128xf32, #tpu.memory_space<hbm>>
    tpu.enqueue_indirect_dma source(%dma_start3A_604 : memref<32768x128xf32, #tpu.memory_space<hbm>>) target(%dma_start3A_598 : memref<64x128xf32, #tpu.memory_space<vmem>>) offsets(%dma_start3A_601 : memref<64xi32, #tpu.memory_space<vmem>>) semaphore(%arg6 : memref<!tpu.dma_semaphore, #tpu.memory_space<semaphore_mem>>)
    %dma_start3A_605 = arith.constant 6 : i32
    %dma_start3A_606 = arith.constant 384 : i32
    %dma_start3A_607 = arith.constant 0 : i32
    %dma_start3A_608 = tpu.memref_slice %arg5[%dma_start3A_606, %dma_start3A_607] : memref<512x128xf32, #tpu.memory_space<vmem>> -> memref<64x128xf32, #tpu.memory_space<vmem>>
    %dma_start3A_609 = arith.constant 0 : i32
    %dma_start3A_610 = tpu.memref_slice %arg4[%dma_start3A_605, %dma_start3A_609] : memref<8x64xi32, #tpu.memory_space<vmem>> -> memref<1x64xi32, #tpu.memory_space<vmem>>
    %dma_start3A_611 = tpu.memref_squeeze %dma_start3A_610 : memref<1x64xi32, #tpu.memory_space<vmem>> -> memref<64xi32, #tpu.memory_space<vmem>>
    %dma_start3A_612 = arith.constant 0 : i32
    %dma_start3A_613 = arith.constant 0 : i32
    %dma_start3A_614 = tpu.memref_slice %arg2[%dma_start3A_612, %dma_start3A_613] : memref<32768x128xf32, #tpu.memory_space<hbm>> -> memref<32768x128xf32, #tpu.memory_space<hbm>>
    tpu.enqueue_indirect_dma source(%dma_start3A_614 : memref<32768x128xf32, #tpu.memory_space<hbm>>) target(%dma_start3A_608 : memref<64x128xf32, #tpu.memory_space<vmem>>) offsets(%dma_start3A_611 : memref<64xi32, #tpu.memory_space<vmem>>) semaphore(%arg6 : memref<!tpu.dma_semaphore, #tpu.memory_space<semaphore_mem>>)
    %dma_start3A_615 = arith.constant 7 : i32
    %dma_start3A_616 = arith.constant 448 : i32
    %dma_start3A_617 = arith.constant 0 : i32
    %dma_start3A_618 = tpu.memref_slice %arg5[%dma_start3A_616, %dma_start3A_617] : memref<512x128xf32, #tpu.memory_space<vmem>> -> memref<64x128xf32, #tpu.memory_space<vmem>>
    %dma_start3A_619 = arith.constant 0 : i32
    %dma_start3A_620 = tpu.memref_slice %arg4[%dma_start3A_615, %dma_start3A_619] : memref<8x64xi32, #tpu.memory_space<vmem>> -> memref<1x64xi32, #tpu.memory_space<vmem>>
    %dma_start3A_621 = tpu.memref_squeeze %dma_start3A_620 : memref<1x64xi32, #tpu.memory_space<vmem>> -> memref<64xi32, #tpu.memory_space<vmem>>
    %dma_start3A_622 = arith.constant 0 : i32
    %dma_start3A_623 = arith.constant 0 : i32
    %dma_start3A_624 = tpu.memref_slice %arg2[%dma_start3A_622, %dma_start3A_623] : memref<32768x128xf32, #tpu.memory_space<hbm>> -> memref<32768x128xf32, #tpu.memory_space<hbm>>
    tpu.enqueue_indirect_dma source(%dma_start3A_624 : memref<32768x128xf32, #tpu.memory_space<hbm>>) target(%dma_start3A_618 : memref<64x128xf32, #tpu.memory_space<vmem>>) offsets(%dma_start3A_621 : memref<64xi32, #tpu.memory_space<vmem>>) semaphore(%arg6 : memref<!tpu.dma_semaphore, #tpu.memory_space<semaphore_mem>>)
    %dma_wait3A = arith.constant 0 : i32
    %dma_wait3A_625 = arith.constant 0 : i32
    %dma_wait3A_626 = arith.constant 0 : i32
    %dma_wait3A_627 = tpu.memref_slice %arg5[%dma_wait3A_625, %dma_wait3A_626] : memref<512x128xf32, #tpu.memory_space<vmem>> -> memref<64x128xf32, #tpu.memory_space<vmem>>
    %dma_wait3A_628 = arith.constant 0 : i32
    %dma_wait3A_629 = tpu.memref_slice %arg4[%dma_wait3A, %dma_wait3A_628] : memref<8x64xi32, #tpu.memory_space<vmem>> -> memref<1x64xi32, #tpu.memory_space<vmem>>
    %dma_wait3A_630 = tpu.memref_squeeze %dma_wait3A_629 : memref<1x64xi32, #tpu.memory_space<vmem>> -> memref<64xi32, #tpu.memory_space<vmem>>
    %dma_wait3A_631 = arith.constant 0 : i32
    %dma_wait3A_632 = arith.constant 0 : i32
    %dma_wait3A_633 = tpu.memref_slice %arg2[%dma_wait3A_631, %dma_wait3A_632] : memref<32768x128xf32, #tpu.memory_space<hbm>> -> memref<32768x128xf32, #tpu.memory_space<hbm>>
    tpu.wait_indirect_dma semaphore(%arg6 : memref<!tpu.dma_semaphore, #tpu.memory_space<semaphore_mem>>) src(%dma_wait3A_633 : memref<32768x128xf32, #tpu.memory_space<hbm>>) dst(%dma_wait3A_627 : memref<64x128xf32, #tpu.memory_space<vmem>>)
    %add3A_634 = arith.constant 0 : i32
    %add3A_635 = arith.addi %mul3A_2, %add3A_634 : i32
    %dma_start3A_636 = arith.constant 0 : i32
    %dma_start3A_637 = arith.constant 0 : i32
    %dma_start3A_638 = tpu.memref_slice %arg5[%dma_start3A_636, %dma_start3A_637] : memref<512x128xf32, #tpu.memory_space<vmem>> -> memref<64x128xf32, #tpu.memory_space<vmem>>
    %dma_start3A_639 = arith.constant 0 : i32
    %dma_start3A_640 = tpu.memref_slice %arg3[%add3A_635, %dma_start3A_639] : memref<16384x128xf32, #tpu.memory_space<hbm>> -> memref<64x128xf32, #tpu.memory_space<hbm>>
    %dma_start3A_641 = arith.constant 0 : i32
    %dma_start3A_642 = tpu.memref_slice %arg3[%add3A_635, %dma_start3A_641] : memref<16384x128xf32, #tpu.memory_space<hbm>> -> memref<64x128xf32, #tpu.memory_space<hbm>>
    %dma_start3A_643 = arith.constant 0 : i32
    %dma_start3A_644 = arith.constant 0 : i32
    %dma_start3A_645 = tpu.memref_slice %arg5[%dma_start3A_643, %dma_start3A_644] : memref<512x128xf32, #tpu.memory_space<vmem>> -> memref<64x128xf32, #tpu.memory_space<vmem>>
    tpu.enqueue_dma source(%dma_start3A_645 : memref<64x128xf32, #tpu.memory_space<vmem>>) target(%dma_start3A_642 : memref<64x128xf32, #tpu.memory_space<hbm>>) target_semaphore(%arg7 : memref<!tpu.dma_semaphore, #tpu.memory_space<semaphore_mem>>)
    %dma_wait3A_646 = arith.constant 1 : i32
    %dma_wait3A_647 = arith.constant 64 : i32
    %dma_wait3A_648 = arith.constant 0 : i32
    %dma_wait3A_649 = tpu.memref_slice %arg5[%dma_wait3A_647, %dma_wait3A_648] : memref<512x128xf32, #tpu.memory_space<vmem>> -> memref<64x128xf32, #tpu.memory_space<vmem>>
    %dma_wait3A_650 = arith.constant 0 : i32
    %dma_wait3A_651 = tpu.memref_slice %arg4[%dma_wait3A_646, %dma_wait3A_650] : memref<8x64xi32, #tpu.memory_space<vmem>> -> memref<1x64xi32, #tpu.memory_space<vmem>>
    %dma_wait3A_652 = tpu.memref_squeeze %dma_wait3A_651 : memref<1x64xi32, #tpu.memory_space<vmem>> -> memref<64xi32, #tpu.memory_space<vmem>>
    %dma_wait3A_653 = arith.constant 0 : i32
    %dma_wait3A_654 = arith.constant 0 : i32
    %dma_wait3A_655 = tpu.memref_slice %arg2[%dma_wait3A_653, %dma_wait3A_654] : memref<32768x128xf32, #tpu.memory_space<hbm>> -> memref<32768x128xf32, #tpu.memory_space<hbm>>
    tpu.wait_indirect_dma semaphore(%arg6 : memref<!tpu.dma_semaphore, #tpu.memory_space<semaphore_mem>>) src(%dma_wait3A_655 : memref<32768x128xf32, #tpu.memory_space<hbm>>) dst(%dma_wait3A_649 : memref<64x128xf32, #tpu.memory_space<vmem>>)
    %add3A_656 = arith.constant 64 : i32
    %add3A_657 = arith.addi %mul3A_2, %add3A_656 : i32
    %dma_start3A_658 = arith.constant 64 : i32
    %dma_start3A_659 = arith.constant 0 : i32
    %dma_start3A_660 = tpu.memref_slice %arg5[%dma_start3A_658, %dma_start3A_659] : memref<512x128xf32, #tpu.memory_space<vmem>> -> memref<64x128xf32, #tpu.memory_space<vmem>>
    %dma_start3A_661 = arith.constant 0 : i32
    %dma_start3A_662 = tpu.memref_slice %arg3[%add3A_657, %dma_start3A_661] : memref<16384x128xf32, #tpu.memory_space<hbm>> -> memref<64x128xf32, #tpu.memory_space<hbm>>
    %dma_start3A_663 = arith.constant 0 : i32
    %dma_start3A_664 = tpu.memref_slice %arg3[%add3A_657, %dma_start3A_663] : memref<16384x128xf32, #tpu.memory_space<hbm>> -> memref<64x128xf32, #tpu.memory_space<hbm>>
    %dma_start3A_665 = arith.constant 64 : i32
    %dma_start3A_666 = arith.constant 0 : i32
    %dma_start3A_667 = tpu.memref_slice %arg5[%dma_start3A_665, %dma_start3A_666] : memref<512x128xf32, #tpu.memory_space<vmem>> -> memref<64x128xf32, #tpu.memory_space<vmem>>
    tpu.enqueue_dma source(%dma_start3A_667 : memref<64x128xf32, #tpu.memory_space<vmem>>) target(%dma_start3A_664 : memref<64x128xf32, #tpu.memory_space<hbm>>) target_semaphore(%arg7 : memref<!tpu.dma_semaphore, #tpu.memory_space<semaphore_mem>>)
    %dma_wait3A_668 = arith.constant 2 : i32
    %dma_wait3A_669 = arith.constant 128 : i32
    %dma_wait3A_670 = arith.constant 0 : i32
    %dma_wait3A_671 = tpu.memref_slice %arg5[%dma_wait3A_669, %dma_wait3A_670] : memref<512x128xf32, #tpu.memory_space<vmem>> -> memref<64x128xf32, #tpu.memory_space<vmem>>
    %dma_wait3A_672 = arith.constant 0 : i32
    %dma_wait3A_673 = tpu.memref_slice %arg4[%dma_wait3A_668, %dma_wait3A_672] : memref<8x64xi32, #tpu.memory_space<vmem>> -> memref<1x64xi32, #tpu.memory_space<vmem>>
    %dma_wait3A_674 = tpu.memref_squeeze %dma_wait3A_673 : memref<1x64xi32, #tpu.memory_space<vmem>> -> memref<64xi32, #tpu.memory_space<vmem>>
    %dma_wait3A_675 = arith.constant 0 : i32
    %dma_wait3A_676 = arith.constant 0 : i32
    %dma_wait3A_677 = tpu.memref_slice %arg2[%dma_wait3A_675, %dma_wait3A_676] : memref<32768x128xf32, #tpu.memory_space<hbm>> -> memref<32768x128xf32, #tpu.memory_space<hbm>>
    tpu.wait_indirect_dma semaphore(%arg6 : memref<!tpu.dma_semaphore, #tpu.memory_space<semaphore_mem>>) src(%dma_wait3A_677 : memref<32768x128xf32, #tpu.memory_space<hbm>>) dst(%dma_wait3A_671 : memref<64x128xf32, #tpu.memory_space<vmem>>)
    %add3A_678 = arith.constant 128 : i32
    %add3A_679 = arith.addi %mul3A_2, %add3A_678 : i32
    %dma_start3A_680 = arith.constant 128 : i32
    %dma_start3A_681 = arith.constant 0 : i32
    %dma_start3A_682 = tpu.memref_slice %arg5[%dma_start3A_680, %dma_start3A_681] : memref<512x128xf32, #tpu.memory_space<vmem>> -> memref<64x128xf32, #tpu.memory_space<vmem>>
    %dma_start3A_683 = arith.constant 0 : i32
    %dma_start3A_684 = tpu.memref_slice %arg3[%add3A_679, %dma_start3A_683] : memref<16384x128xf32, #tpu.memory_space<hbm>> -> memref<64x128xf32, #tpu.memory_space<hbm>>
    %dma_start3A_685 = arith.constant 0 : i32
    %dma_start3A_686 = tpu.memref_slice %arg3[%add3A_679, %dma_start3A_685] : memref<16384x128xf32, #tpu.memory_space<hbm>> -> memref<64x128xf32, #tpu.memory_space<hbm>>
    %dma_start3A_687 = arith.constant 128 : i32
    %dma_start3A_688 = arith.constant 0 : i32
    %dma_start3A_689 = tpu.memref_slice %arg5[%dma_start3A_687, %dma_start3A_688] : memref<512x128xf32, #tpu.memory_space<vmem>> -> memref<64x128xf32, #tpu.memory_space<vmem>>
    tpu.enqueue_dma source(%dma_start3A_689 : memref<64x128xf32, #tpu.memory_space<vmem>>) target(%dma_start3A_686 : memref<64x128xf32, #tpu.memory_space<hbm>>) target_semaphore(%arg7 : memref<!tpu.dma_semaphore, #tpu.memory_space<semaphore_mem>>)
    %dma_wait3A_690 = arith.constant 3 : i32
    %dma_wait3A_691 = arith.constant 192 : i32
    %dma_wait3A_692 = arith.constant 0 : i32
    %dma_wait3A_693 = tpu.memref_slice %arg5[%dma_wait3A_691, %dma_wait3A_692] : memref<512x128xf32, #tpu.memory_space<vmem>> -> memref<64x128xf32, #tpu.memory_space<vmem>>
    %dma_wait3A_694 = arith.constant 0 : i32
    %dma_wait3A_695 = tpu.memref_slice %arg4[%dma_wait3A_690, %dma_wait3A_694] : memref<8x64xi32, #tpu.memory_space<vmem>> -> memref<1x64xi32, #tpu.memory_space<vmem>>
    %dma_wait3A_696 = tpu.memref_squeeze %dma_wait3A_695 : memref<1x64xi32, #tpu.memory_space<vmem>> -> memref<64xi32, #tpu.memory_space<vmem>>
    %dma_wait3A_697 = arith.constant 0 : i32
    %dma_wait3A_698 = arith.constant 0 : i32
    %dma_wait3A_699 = tpu.memref_slice %arg2[%dma_wait3A_697, %dma_wait3A_698] : memref<32768x128xf32, #tpu.memory_space<hbm>> -> memref<32768x128xf32, #tpu.memory_space<hbm>>
    tpu.wait_indirect_dma semaphore(%arg6 : memref<!tpu.dma_semaphore, #tpu.memory_space<semaphore_mem>>) src(%dma_wait3A_699 : memref<32768x128xf32, #tpu.memory_space<hbm>>) dst(%dma_wait3A_693 : memref<64x128xf32, #tpu.memory_space<vmem>>)
    %add3A_700 = arith.constant 192 : i32
    %add3A_701 = arith.addi %mul3A_2, %add3A_700 : i32
    %dma_start3A_702 = arith.constant 192 : i32
    %dma_start3A_703 = arith.constant 0 : i32
    %dma_start3A_704 = tpu.memref_slice %arg5[%dma_start3A_702, %dma_start3A_703] : memref<512x128xf32, #tpu.memory_space<vmem>> -> memref<64x128xf32, #tpu.memory_space<vmem>>
    %dma_start3A_705 = arith.constant 0 : i32
    %dma_start3A_706 = tpu.memref_slice %arg3[%add3A_701, %dma_start3A_705] : memref<16384x128xf32, #tpu.memory_space<hbm>> -> memref<64x128xf32, #tpu.memory_space<hbm>>
    %dma_start3A_707 = arith.constant 0 : i32
    %dma_start3A_708 = tpu.memref_slice %arg3[%add3A_701, %dma_start3A_707] : memref<16384x128xf32, #tpu.memory_space<hbm>> -> memref<64x128xf32, #tpu.memory_space<hbm>>
    %dma_start3A_709 = arith.constant 192 : i32
    %dma_start3A_710 = arith.constant 0 : i32
    %dma_start3A_711 = tpu.memref_slice %arg5[%dma_start3A_709, %dma_start3A_710] : memref<512x128xf32, #tpu.memory_space<vmem>> -> memref<64x128xf32, #tpu.memory_space<vmem>>
    tpu.enqueue_dma source(%dma_start3A_711 : memref<64x128xf32, #tpu.memory_space<vmem>>) target(%dma_start3A_708 : memref<64x128xf32, #tpu.memory_space<hbm>>) target_semaphore(%arg7 : memref<!tpu.dma_semaphore, #tpu.memory_space<semaphore_mem>>)
    %dma_wait3A_712 = arith.constant 4 : i32
    %dma_wait3A_713 = arith.constant 256 : i32
    %dma_wait3A_714 = arith.constant 0 : i32
    %dma_wait3A_715 = tpu.memref_slice %arg5[%dma_wait3A_713, %dma_wait3A_714] : memref<512x128xf32, #tpu.memory_space<vmem>> -> memref<64x128xf32, #tpu.memory_space<vmem>>
    %dma_wait3A_716 = arith.constant 0 : i32
    %dma_wait3A_717 = tpu.memref_slice %arg4[%dma_wait3A_712, %dma_wait3A_716] : memref<8x64xi32, #tpu.memory_space<vmem>> -> memref<1x64xi32, #tpu.memory_space<vmem>>
    %dma_wait3A_718 = tpu.memref_squeeze %dma_wait3A_717 : memref<1x64xi32, #tpu.memory_space<vmem>> -> memref<64xi32, #tpu.memory_space<vmem>>
    %dma_wait3A_719 = arith.constant 0 : i32
    %dma_wait3A_720 = arith.constant 0 : i32
    %dma_wait3A_721 = tpu.memref_slice %arg2[%dma_wait3A_719, %dma_wait3A_720] : memref<32768x128xf32, #tpu.memory_space<hbm>> -> memref<32768x128xf32, #tpu.memory_space<hbm>>
    tpu.wait_indirect_dma semaphore(%arg6 : memref<!tpu.dma_semaphore, #tpu.memory_space<semaphore_mem>>) src(%dma_wait3A_721 : memref<32768x128xf32, #tpu.memory_space<hbm>>) dst(%dma_wait3A_715 : memref<64x128xf32, #tpu.memory_space<vmem>>)
    %add3A_722 = arith.constant 256 : i32
    %add3A_723 = arith.addi %mul3A_2, %add3A_722 : i32
    %dma_start3A_724 = arith.constant 256 : i32
    %dma_start3A_725 = arith.constant 0 : i32
    %dma_start3A_726 = tpu.memref_slice %arg5[%dma_start3A_724, %dma_start3A_725] : memref<512x128xf32, #tpu.memory_space<vmem>> -> memref<64x128xf32, #tpu.memory_space<vmem>>
    %dma_start3A_727 = arith.constant 0 : i32
    %dma_start3A_728 = tpu.memref_slice %arg3[%add3A_723, %dma_start3A_727] : memref<16384x128xf32, #tpu.memory_space<hbm>> -> memref<64x128xf32, #tpu.memory_space<hbm>>
    %dma_start3A_729 = arith.constant 0 : i32
    %dma_start3A_730 = tpu.memref_slice %arg3[%add3A_723, %dma_start3A_729] : memref<16384x128xf32, #tpu.memory_space<hbm>> -> memref<64x128xf32, #tpu.memory_space<hbm>>
    %dma_start3A_731 = arith.constant 256 : i32
    %dma_start3A_732 = arith.constant 0 : i32
    %dma_start3A_733 = tpu.memref_slice %arg5[%dma_start3A_731, %dma_start3A_732] : memref<512x128xf32, #tpu.memory_space<vmem>> -> memref<64x128xf32, #tpu.memory_space<vmem>>
    tpu.enqueue_dma source(%dma_start3A_733 : memref<64x128xf32, #tpu.memory_space<vmem>>) target(%dma_start3A_730 : memref<64x128xf32, #tpu.memory_space<hbm>>) target_semaphore(%arg7 : memref<!tpu.dma_semaphore, #tpu.memory_space<semaphore_mem>>)
    %dma_wait3A_734 = arith.constant 5 : i32
    %dma_wait3A_735 = arith.constant 320 : i32
    %dma_wait3A_736 = arith.constant 0 : i32
    %dma_wait3A_737 = tpu.memref_slice %arg5[%dma_wait3A_735, %dma_wait3A_736] : memref<512x128xf32, #tpu.memory_space<vmem>> -> memref<64x128xf32, #tpu.memory_space<vmem>>
    %dma_wait3A_738 = arith.constant 0 : i32
    %dma_wait3A_739 = tpu.memref_slice %arg4[%dma_wait3A_734, %dma_wait3A_738] : memref<8x64xi32, #tpu.memory_space<vmem>> -> memref<1x64xi32, #tpu.memory_space<vmem>>
    %dma_wait3A_740 = tpu.memref_squeeze %dma_wait3A_739 : memref<1x64xi32, #tpu.memory_space<vmem>> -> memref<64xi32, #tpu.memory_space<vmem>>
    %dma_wait3A_741 = arith.constant 0 : i32
    %dma_wait3A_742 = arith.constant 0 : i32
    %dma_wait3A_743 = tpu.memref_slice %arg2[%dma_wait3A_741, %dma_wait3A_742] : memref<32768x128xf32, #tpu.memory_space<hbm>> -> memref<32768x128xf32, #tpu.memory_space<hbm>>
    tpu.wait_indirect_dma semaphore(%arg6 : memref<!tpu.dma_semaphore, #tpu.memory_space<semaphore_mem>>) src(%dma_wait3A_743 : memref<32768x128xf32, #tpu.memory_space<hbm>>) dst(%dma_wait3A_737 : memref<64x128xf32, #tpu.memory_space<vmem>>)
    %add3A_744 = arith.constant 320 : i32
    %add3A_745 = arith.addi %mul3A_2, %add3A_744 : i32
    %dma_start3A_746 = arith.constant 320 : i32
    %dma_start3A_747 = arith.constant 0 : i32
    %dma_start3A_748 = tpu.memref_slice %arg5[%dma_start3A_746, %dma_start3A_747] : memref<512x128xf32, #tpu.memory_space<vmem>> -> memref<64x128xf32, #tpu.memory_space<vmem>>
    %dma_start3A_749 = arith.constant 0 : i32
    %dma_start3A_750 = tpu.memref_slice %arg3[%add3A_745, %dma_start3A_749] : memref<16384x128xf32, #tpu.memory_space<hbm>> -> memref<64x128xf32, #tpu.memory_space<hbm>>
    %dma_start3A_751 = arith.constant 0 : i32
    %dma_start3A_752 = tpu.memref_slice %arg3[%add3A_745, %dma_start3A_751] : memref<16384x128xf32, #tpu.memory_space<hbm>> -> memref<64x128xf32, #tpu.memory_space<hbm>>
    %dma_start3A_753 = arith.constant 320 : i32
    %dma_start3A_754 = arith.constant 0 : i32
    %dma_start3A_755 = tpu.memref_slice %arg5[%dma_start3A_753, %dma_start3A_754] : memref<512x128xf32, #tpu.memory_space<vmem>> -> memref<64x128xf32, #tpu.memory_space<vmem>>
    tpu.enqueue_dma source(%dma_start3A_755 : memref<64x128xf32, #tpu.memory_space<vmem>>) target(%dma_start3A_752 : memref<64x128xf32, #tpu.memory_space<hbm>>) target_semaphore(%arg7 : memref<!tpu.dma_semaphore, #tpu.memory_space<semaphore_mem>>)
    %dma_wait3A_756 = arith.constant 6 : i32
    %dma_wait3A_757 = arith.constant 384 : i32
    %dma_wait3A_758 = arith.constant 0 : i32
    %dma_wait3A_759 = tpu.memref_slice %arg5[%dma_wait3A_757, %dma_wait3A_758] : memref<512x128xf32, #tpu.memory_space<vmem>> -> memref<64x128xf32, #tpu.memory_space<vmem>>
    %dma_wait3A_760 = arith.constant 0 : i32
    %dma_wait3A_761 = tpu.memref_slice %arg4[%dma_wait3A_756, %dma_wait3A_760] : memref<8x64xi32, #tpu.memory_space<vmem>> -> memref<1x64xi32, #tpu.memory_space<vmem>>
    %dma_wait3A_762 = tpu.memref_squeeze %dma_wait3A_761 : memref<1x64xi32, #tpu.memory_space<vmem>> -> memref<64xi32, #tpu.memory_space<vmem>>
    %dma_wait3A_763 = arith.constant 0 : i32
    %dma_wait3A_764 = arith.constant 0 : i32
    %dma_wait3A_765 = tpu.memref_slice %arg2[%dma_wait3A_763, %dma_wait3A_764] : memref<32768x128xf32, #tpu.memory_space<hbm>> -> memref<32768x128xf32, #tpu.memory_space<hbm>>
    tpu.wait_indirect_dma semaphore(%arg6 : memref<!tpu.dma_semaphore, #tpu.memory_space<semaphore_mem>>) src(%dma_wait3A_765 : memref<32768x128xf32, #tpu.memory_space<hbm>>) dst(%dma_wait3A_759 : memref<64x128xf32, #tpu.memory_space<vmem>>)
    %add3A_766 = arith.constant 384 : i32
    %add3A_767 = arith.addi %mul3A_2, %add3A_766 : i32
    %dma_start3A_768 = arith.constant 384 : i32
    %dma_start3A_769 = arith.constant 0 : i32
    %dma_start3A_770 = tpu.memref_slice %arg5[%dma_start3A_768, %dma_start3A_769] : memref<512x128xf32, #tpu.memory_space<vmem>> -> memref<64x128xf32, #tpu.memory_space<vmem>>
    %dma_start3A_771 = arith.constant 0 : i32
    %dma_start3A_772 = tpu.memref_slice %arg3[%add3A_767, %dma_start3A_771] : memref<16384x128xf32, #tpu.memory_space<hbm>> -> memref<64x128xf32, #tpu.memory_space<hbm>>
    %dma_start3A_773 = arith.constant 0 : i32
    %dma_start3A_774 = tpu.memref_slice %arg3[%add3A_767, %dma_start3A_773] : memref<16384x128xf32, #tpu.memory_space<hbm>> -> memref<64x128xf32, #tpu.memory_space<hbm>>
    %dma_start3A_775 = arith.constant 384 : i32
    %dma_start3A_776 = arith.constant 0 : i32
    %dma_start3A_777 = tpu.memref_slice %arg5[%dma_start3A_775, %dma_start3A_776] : memref<512x128xf32, #tpu.memory_space<vmem>> -> memref<64x128xf32, #tpu.memory_space<vmem>>
    tpu.enqueue_dma source(%dma_start3A_777 : memref<64x128xf32, #tpu.memory_space<vmem>>) target(%dma_start3A_774 : memref<64x128xf32, #tpu.memory_space<hbm>>) target_semaphore(%arg7 : memref<!tpu.dma_semaphore, #tpu.memory_space<semaphore_mem>>)
    %dma_wait3A_778 = arith.constant 7 : i32
    %dma_wait3A_779 = arith.constant 448 : i32
    %dma_wait3A_780 = arith.constant 0 : i32
    %dma_wait3A_781 = tpu.memref_slice %arg5[%dma_wait3A_779, %dma_wait3A_780] : memref<512x128xf32, #tpu.memory_space<vmem>> -> memref<64x128xf32, #tpu.memory_space<vmem>>
    %dma_wait3A_782 = arith.constant 0 : i32
    %dma_wait3A_783 = tpu.memref_slice %arg4[%dma_wait3A_778, %dma_wait3A_782] : memref<8x64xi32, #tpu.memory_space<vmem>> -> memref<1x64xi32, #tpu.memory_space<vmem>>
    %dma_wait3A_784 = tpu.memref_squeeze %dma_wait3A_783 : memref<1x64xi32, #tpu.memory_space<vmem>> -> memref<64xi32, #tpu.memory_space<vmem>>
    %dma_wait3A_785 = arith.constant 0 : i32
    %dma_wait3A_786 = arith.constant 0 : i32
    %dma_wait3A_787 = tpu.memref_slice %arg2[%dma_wait3A_785, %dma_wait3A_786] : memref<32768x128xf32, #tpu.memory_space<hbm>> -> memref<32768x128xf32, #tpu.memory_space<hbm>>
    tpu.wait_indirect_dma semaphore(%arg6 : memref<!tpu.dma_semaphore, #tpu.memory_space<semaphore_mem>>) src(%dma_wait3A_787 : memref<32768x128xf32, #tpu.memory_space<hbm>>) dst(%dma_wait3A_781 : memref<64x128xf32, #tpu.memory_space<vmem>>)
    %add3A_788 = arith.constant 448 : i32
    %add3A_789 = arith.addi %mul3A_2, %add3A_788 : i32
    %dma_start3A_790 = arith.constant 448 : i32
    %dma_start3A_791 = arith.constant 0 : i32
    %dma_start3A_792 = tpu.memref_slice %arg5[%dma_start3A_790, %dma_start3A_791] : memref<512x128xf32, #tpu.memory_space<vmem>> -> memref<64x128xf32, #tpu.memory_space<vmem>>
    %dma_start3A_793 = arith.constant 0 : i32
    %dma_start3A_794 = tpu.memref_slice %arg3[%add3A_789, %dma_start3A_793] : memref<16384x128xf32, #tpu.memory_space<hbm>> -> memref<64x128xf32, #tpu.memory_space<hbm>>
    %dma_start3A_795 = arith.constant 0 : i32
    %dma_start3A_796 = tpu.memref_slice %arg3[%add3A_789, %dma_start3A_795] : memref<16384x128xf32, #tpu.memory_space<hbm>> -> memref<64x128xf32, #tpu.memory_space<hbm>>
    %dma_start3A_797 = arith.constant 448 : i32
    %dma_start3A_798 = arith.constant 0 : i32
    %dma_start3A_799 = tpu.memref_slice %arg5[%dma_start3A_797, %dma_start3A_798] : memref<512x128xf32, #tpu.memory_space<vmem>> -> memref<64x128xf32, #tpu.memory_space<vmem>>
    tpu.enqueue_dma source(%dma_start3A_799 : memref<64x128xf32, #tpu.memory_space<vmem>>) target(%dma_start3A_796 : memref<64x128xf32, #tpu.memory_space<hbm>>) target_semaphore(%arg7 : memref<!tpu.dma_semaphore, #tpu.memory_space<semaphore_mem>>)
    %dma_wait3A_800 = arith.constant 0 : i32
    %dma_wait3A_801 = arith.constant 0 : i32
    %dma_wait3A_802 = tpu.memref_slice %arg5[%dma_wait3A_800, %dma_wait3A_801] : memref<512x128xf32, #tpu.memory_space<vmem>> -> memref<64x128xf32, #tpu.memory_space<vmem>>
    %dma_wait3A_803 = arith.constant 0 : i32
    %dma_wait3A_804 = tpu.memref_slice %arg3[%add3A_635, %dma_wait3A_803] : memref<16384x128xf32, #tpu.memory_space<hbm>> -> memref<64x128xf32, #tpu.memory_space<hbm>>
    %dma_wait3A_805 = arith.constant 0 : i32
    %dma_wait3A_806 = tpu.memref_slice %arg3[%add3A_635, %dma_wait3A_805] : memref<16384x128xf32, #tpu.memory_space<hbm>> -> memref<64x128xf32, #tpu.memory_space<hbm>>
    %dma_wait3A_807 = arith.constant 0 : i32
    %dma_wait3A_808 = arith.constant 0 : i32
    %dma_wait3A_809 = tpu.memref_slice %arg5[%dma_wait3A_807, %dma_wait3A_808] : memref<512x128xf32, #tpu.memory_space<vmem>> -> memref<64x128xf32, #tpu.memory_space<vmem>>
    tpu.wait_dma2 semaphore(%arg7 : memref<!tpu.dma_semaphore, #tpu.memory_space<semaphore_mem>>) src(%dma_wait3A_809 : memref<64x128xf32, #tpu.memory_space<vmem>>) dst(%dma_wait3A_806 : memref<64x128xf32, #tpu.memory_space<hbm>>)
    %dma_wait3A_810 = arith.constant 64 : i32
    %dma_wait3A_811 = arith.constant 0 : i32
    %dma_wait3A_812 = tpu.memref_slice %arg5[%dma_wait3A_810, %dma_wait3A_811] : memref<512x128xf32, #tpu.memory_space<vmem>> -> memref<64x128xf32, #tpu.memory_space<vmem>>
    %dma_wait3A_813 = arith.constant 0 : i32
    %dma_wait3A_814 = tpu.memref_slice %arg3[%add3A_657, %dma_wait3A_813] : memref<16384x128xf32, #tpu.memory_space<hbm>> -> memref<64x128xf32, #tpu.memory_space<hbm>>
    %dma_wait3A_815 = arith.constant 0 : i32
    %dma_wait3A_816 = tpu.memref_slice %arg3[%add3A_657, %dma_wait3A_815] : memref<16384x128xf32, #tpu.memory_space<hbm>> -> memref<64x128xf32, #tpu.memory_space<hbm>>
    %dma_wait3A_817 = arith.constant 64 : i32
    %dma_wait3A_818 = arith.constant 0 : i32
    %dma_wait3A_819 = tpu.memref_slice %arg5[%dma_wait3A_817, %dma_wait3A_818] : memref<512x128xf32, #tpu.memory_space<vmem>> -> memref<64x128xf32, #tpu.memory_space<vmem>>
    tpu.wait_dma2 semaphore(%arg7 : memref<!tpu.dma_semaphore, #tpu.memory_space<semaphore_mem>>) src(%dma_wait3A_819 : memref<64x128xf32, #tpu.memory_space<vmem>>) dst(%dma_wait3A_816 : memref<64x128xf32, #tpu.memory_space<hbm>>)
    %dma_wait3A_820 = arith.constant 128 : i32
    %dma_wait3A_821 = arith.constant 0 : i32
    %dma_wait3A_822 = tpu.memref_slice %arg5[%dma_wait3A_820, %dma_wait3A_821] : memref<512x128xf32, #tpu.memory_space<vmem>> -> memref<64x128xf32, #tpu.memory_space<vmem>>
    %dma_wait3A_823 = arith.constant 0 : i32
    %dma_wait3A_824 = tpu.memref_slice %arg3[%add3A_679, %dma_wait3A_823] : memref<16384x128xf32, #tpu.memory_space<hbm>> -> memref<64x128xf32, #tpu.memory_space<hbm>>
    %dma_wait3A_825 = arith.constant 0 : i32
    %dma_wait3A_826 = tpu.memref_slice %arg3[%add3A_679, %dma_wait3A_825] : memref<16384x128xf32, #tpu.memory_space<hbm>> -> memref<64x128xf32, #tpu.memory_space<hbm>>
    %dma_wait3A_827 = arith.constant 128 : i32
    %dma_wait3A_828 = arith.constant 0 : i32
    %dma_wait3A_829 = tpu.memref_slice %arg5[%dma_wait3A_827, %dma_wait3A_828] : memref<512x128xf32, #tpu.memory_space<vmem>> -> memref<64x128xf32, #tpu.memory_space<vmem>>
    tpu.wait_dma2 semaphore(%arg7 : memref<!tpu.dma_semaphore, #tpu.memory_space<semaphore_mem>>) src(%dma_wait3A_829 : memref<64x128xf32, #tpu.memory_space<vmem>>) dst(%dma_wait3A_826 : memref<64x128xf32, #tpu.memory_space<hbm>>)
    %dma_wait3A_830 = arith.constant 192 : i32
    %dma_wait3A_831 = arith.constant 0 : i32
    %dma_wait3A_832 = tpu.memref_slice %arg5[%dma_wait3A_830, %dma_wait3A_831] : memref<512x128xf32, #tpu.memory_space<vmem>> -> memref<64x128xf32, #tpu.memory_space<vmem>>
    %dma_wait3A_833 = arith.constant 0 : i32
    %dma_wait3A_834 = tpu.memref_slice %arg3[%add3A_701, %dma_wait3A_833] : memref<16384x128xf32, #tpu.memory_space<hbm>> -> memref<64x128xf32, #tpu.memory_space<hbm>>
    %dma_wait3A_835 = arith.constant 0 : i32
    %dma_wait3A_836 = tpu.memref_slice %arg3[%add3A_701, %dma_wait3A_835] : memref<16384x128xf32, #tpu.memory_space<hbm>> -> memref<64x128xf32, #tpu.memory_space<hbm>>
    %dma_wait3A_837 = arith.constant 192 : i32
    %dma_wait3A_838 = arith.constant 0 : i32
    %dma_wait3A_839 = tpu.memref_slice %arg5[%dma_wait3A_837, %dma_wait3A_838] : memref<512x128xf32, #tpu.memory_space<vmem>> -> memref<64x128xf32, #tpu.memory_space<vmem>>
    tpu.wait_dma2 semaphore(%arg7 : memref<!tpu.dma_semaphore, #tpu.memory_space<semaphore_mem>>) src(%dma_wait3A_839 : memref<64x128xf32, #tpu.memory_space<vmem>>) dst(%dma_wait3A_836 : memref<64x128xf32, #tpu.memory_space<hbm>>)
    %dma_wait3A_840 = arith.constant 256 : i32
    %dma_wait3A_841 = arith.constant 0 : i32
    %dma_wait3A_842 = tpu.memref_slice %arg5[%dma_wait3A_840, %dma_wait3A_841] : memref<512x128xf32, #tpu.memory_space<vmem>> -> memref<64x128xf32, #tpu.memory_space<vmem>>
    %dma_wait3A_843 = arith.constant 0 : i32
    %dma_wait3A_844 = tpu.memref_slice %arg3[%add3A_723, %dma_wait3A_843] : memref<16384x128xf32, #tpu.memory_space<hbm>> -> memref<64x128xf32, #tpu.memory_space<hbm>>
    %dma_wait3A_845 = arith.constant 0 : i32
    %dma_wait3A_846 = tpu.memref_slice %arg3[%add3A_723, %dma_wait3A_845] : memref<16384x128xf32, #tpu.memory_space<hbm>> -> memref<64x128xf32, #tpu.memory_space<hbm>>
    %dma_wait3A_847 = arith.constant 256 : i32
    %dma_wait3A_848 = arith.constant 0 : i32
    %dma_wait3A_849 = tpu.memref_slice %arg5[%dma_wait3A_847, %dma_wait3A_848] : memref<512x128xf32, #tpu.memory_space<vmem>> -> memref<64x128xf32, #tpu.memory_space<vmem>>
    tpu.wait_dma2 semaphore(%arg7 : memref<!tpu.dma_semaphore, #tpu.memory_space<semaphore_mem>>) src(%dma_wait3A_849 : memref<64x128xf32, #tpu.memory_space<vmem>>) dst(%dma_wait3A_846 : memref<64x128xf32, #tpu.memory_space<hbm>>)
    %dma_wait3A_850 = arith.constant 320 : i32
    %dma_wait3A_851 = arith.constant 0 : i32
    %dma_wait3A_852 = tpu.memref_slice %arg5[%dma_wait3A_850, %dma_wait3A_851] : memref<512x128xf32, #tpu.memory_space<vmem>> -> memref<64x128xf32, #tpu.memory_space<vmem>>
    %dma_wait3A_853 = arith.constant 0 : i32
    %dma_wait3A_854 = tpu.memref_slice %arg3[%add3A_745, %dma_wait3A_853] : memref<16384x128xf32, #tpu.memory_space<hbm>> -> memref<64x128xf32, #tpu.memory_space<hbm>>
    %dma_wait3A_855 = arith.constant 0 : i32
    %dma_wait3A_856 = tpu.memref_slice %arg3[%add3A_745, %dma_wait3A_855] : memref<16384x128xf32, #tpu.memory_space<hbm>> -> memref<64x128xf32, #tpu.memory_space<hbm>>
    %dma_wait3A_857 = arith.constant 320 : i32
    %dma_wait3A_858 = arith.constant 0 : i32
    %dma_wait3A_859 = tpu.memref_slice %arg5[%dma_wait3A_857, %dma_wait3A_858] : memref<512x128xf32, #tpu.memory_space<vmem>> -> memref<64x128xf32, #tpu.memory_space<vmem>>
    tpu.wait_dma2 semaphore(%arg7 : memref<!tpu.dma_semaphore, #tpu.memory_space<semaphore_mem>>) src(%dma_wait3A_859 : memref<64x128xf32, #tpu.memory_space<vmem>>) dst(%dma_wait3A_856 : memref<64x128xf32, #tpu.memory_space<hbm>>)
    %dma_wait3A_860 = arith.constant 384 : i32
    %dma_wait3A_861 = arith.constant 0 : i32
    %dma_wait3A_862 = tpu.memref_slice %arg5[%dma_wait3A_860, %dma_wait3A_861] : memref<512x128xf32, #tpu.memory_space<vmem>> -> memref<64x128xf32, #tpu.memory_space<vmem>>
    %dma_wait3A_863 = arith.constant 0 : i32
    %dma_wait3A_864 = tpu.memref_slice %arg3[%add3A_767, %dma_wait3A_863] : memref<16384x128xf32, #tpu.memory_space<hbm>> -> memref<64x128xf32, #tpu.memory_space<hbm>>
    %dma_wait3A_865 = arith.constant 0 : i32
    %dma_wait3A_866 = tpu.memref_slice %arg3[%add3A_767, %dma_wait3A_865] : memref<16384x128xf32, #tpu.memory_space<hbm>> -> memref<64x128xf32, #tpu.memory_space<hbm>>
    %dma_wait3A_867 = arith.constant 384 : i32
    %dma_wait3A_868 = arith.constant 0 : i32
    %dma_wait3A_869 = tpu.memref_slice %arg5[%dma_wait3A_867, %dma_wait3A_868] : memref<512x128xf32, #tpu.memory_space<vmem>> -> memref<64x128xf32, #tpu.memory_space<vmem>>
    tpu.wait_dma2 semaphore(%arg7 : memref<!tpu.dma_semaphore, #tpu.memory_space<semaphore_mem>>) src(%dma_wait3A_869 : memref<64x128xf32, #tpu.memory_space<vmem>>) dst(%dma_wait3A_866 : memref<64x128xf32, #tpu.memory_space<hbm>>)
    %dma_wait3A_870 = arith.constant 448 : i32
    %dma_wait3A_871 = arith.constant 0 : i32
    %dma_wait3A_872 = tpu.memref_slice %arg5[%dma_wait3A_870, %dma_wait3A_871] : memref<512x128xf32, #tpu.memory_space<vmem>> -> memref<64x128xf32, #tpu.memory_space<vmem>>
    %dma_wait3A_873 = arith.constant 0 : i32
    %dma_wait3A_874 = tpu.memref_slice %arg3[%add3A_789, %dma_wait3A_873] : memref<16384x128xf32, #tpu.memory_space<hbm>> -> memref<64x128xf32, #tpu.memory_space<hbm>>
    %dma_wait3A_875 = arith.constant 0 : i32
    %dma_wait3A_876 = tpu.memref_slice %arg3[%add3A_789, %dma_wait3A_875] : memref<16384x128xf32, #tpu.memory_space<hbm>> -> memref<64x128xf32, #tpu.memory_space<hbm>>
    %dma_wait3A_877 = arith.constant 448 : i32
    %dma_wait3A_878 = arith.constant 0 : i32
    %dma_wait3A_879 = tpu.memref_slice %arg5[%dma_wait3A_877, %dma_wait3A_878] : memref<512x128xf32, #tpu.memory_space<vmem>> -> memref<64x128xf32, #tpu.memory_space<vmem>>
    tpu.wait_dma2 semaphore(%arg7 : memref<!tpu.dma_semaphore, #tpu.memory_space<semaphore_mem>>) src(%dma_wait3A_879 : memref<64x128xf32, #tpu.memory_space<vmem>>) dst(%dma_wait3A_876 : memref<64x128xf32, #tpu.memory_space<hbm>>)
    return
  }
}

</mosaic_0001>

<sc_bundles>
// kernel: _sampler.3.cloned.1.call-start
scs
__scs_entry_jumppad:
0x0: {  	(pc) =	sbr.rel $0x88, $3  }
0x1: {  	(tag) =	ssettag $0x0;
	lr =	simm.s32 $0x1  }
0x2: {  	[smem:$0x3FA0] =	sst lr;
	_ =	strace $0xD0000000  }
0x3: {  	_ = 	snop  }
0x4: {  	_ = 	snop  }
0x5: {  	_ = 	snop  }
0x6: {  	_ = 	snop  }
0x7: {  	_ = 	snop  }
__scs_overlays_trampoline_lowered:
0x8: {  	[smem:$0x3FAF] =	sst s0  }
0x9: {  	[smem:$0x3FB0] =	sst s1  }
0xa: {  	[smem:$0x3FB1] =	sst s2  }
0xb: {  	[smem:$0x3FB2] =	sst s3  }
0xc: {  	[smem:$0x3FB3] =	sst s4  }
0xd: {  	[smem:$0x3FB4] =	sst s5  }
0xe: {  	[smem:$0x3FB5] =	sst s6  }
0xf: {  	[smem:$0x3FB6] =	sst s7  }
0x10: {  	[smem:$0x3FB7] =	sst s8  }
0x11: {  	[smem:$0x3FB8] =	sst s9;
	s0 =	simm.s32 @!p0 $0x0  }
0x12: {  	s1 =	sld [smem:$0x3F9E];
	s0 =	simm.s32 @p0 $0x1  }
0x13: {  	[smem:$0x3FB9] =	sst s0;
	s0 =	simm.s32 @!p1 $0x0  }
0x14: {  	s2 =	sld [smem:$0x3F9D];
	s0 =	simm.s32 @p1 $0x1  }
0x15: {  	[smem:$0x3FBA] =	sst s0;
	s0 =	simm.s32 @!p2 $0x0  }
0x16: {  	s3 =	sld [smem:$0x3FDB];
	s0 =	simm.s32 @p2 $0x1  }
0x17: {  	s4 =	simm.s32 $0x1BF5;
	[smem:$0x3FBC] =	sst s0  }
0x18: {  	s0 =	sld [smem:$0x3F9F];
	_ =	swait.ge [sflag:s4], $0x0  }
0x19: {  	s7 =	sld [smem:$0x3FA0]  }
0x1a: {  	s8 =	sadd.s32 $0xFFFFE003, lr  }
0x1b: {  	s9 =	sadd.s32 $0xFFFFFEF7, lr;
	s5 =	simm.s32 $0xFFFFFFFF;
	p2 =	slt.u32 s8, $0xFFFFF086  }
0x1c: {  	p1 =	slt.u32 s9, $0xF7A;
	s5 =	simm.s32 @!p2 $0x0  }
0x1d: {  	s5 =	simm.s32 @p1 $0x1;
	p0 =	seq.s32 s7, s2  }
0x1e: {  	s7 =	smul.u32 @!p0 $0xF7A, s2;
	p2 =	seq.s32 @!p0 s5, $0x0  }
0x1f: {  	s9 =	smul.u32 $0xF7A, s1;
	s8 =	simm.s32 @!p0 $0x1BF5;
	p2 =	por !p2, p0  }
0x20: {  	[sflag:s8] =	ssyncset.s32 @!p0 $0xFFFFF086;
	s6 =	sadd.s32 @!p0 s3, s7;
	s7 =	simm.s32 @!p0 $0x108  }
0x21: {  	s3 =	sadd.s32 s3, s9;
	s6 =	sadd.s32 @!p0 $0x88, s6;
	s7 =	simm.s32 @p2 $0x1082  }
0x22: {  	[simem:s7], [sflag:s8] =	dma.local @!p0 [hbm:s6], $0xF7A  }
0x23: {  	s9 =	sor.u32 $0xD0000000, s2;
	s6 =	simm.s32 $0x108;
	_ =	swait.ge @!p0 [sflag:s8], $0x0  }
0x24: {  	s3 =	sadd.s32 $0x88, s3;
	s6 =	simm.s32 @!p1 $0x1082;
	[sflag:s4] =	ssyncset.s32 $0xFFFFF086  }
0x25: {  	[simem:s6], [sflag:s4] =	dma.local [hbm:s3], $0xF7A  }
0x26: {  	[smem:$0x3FA0] =	sst s1;
	(tag) =	ssettag s2;
	_ =	strace s9  }
0x27: {  	s1 =	sld [smem:$0x3FB0]  }
0x28: {  	s2 =	sld [smem:$0x3FB1]  }
0x29: {  	s4 =	sld [smem:$0x3FB3]  }
0x2a: {  	p0 =	seq.s32 s5, $0x0;
	s5 =	sld [smem:$0x3FB4]  }
0x2b: {  	s6 =	sld [smem:$0x3FB5]  }
0x2c: {  	s7 =	sld [smem:$0x3FB6]  }
0x2d: {  	s3 =	simm.s32 $0x108;
	s8 =	sld [smem:$0x3FB7]  }
0x2e: {  	s3 =	simm.s32 @!p0 $0x1082;
	s9 =	sld [smem:$0x3FB8]  }
0x2f: {  	lr =	sadd.s32 s0, s3;
	s0 =	sld [smem:$0x3FAF]  }
0x30: {  	s3 =	sld [smem:$0x3FB2]  }
0x31: {  	[smem:$0x3FBB] =	sst s10  }
0x32: {  	s10 =	sld [smem:$0x3FB9];
	_ =	sdelay $0x3  }
0x33: {  	p0 =	seq.s32 s10, $0x1;
	s10 =	sld [smem:$0x3FBB];
	_ =	sdelay $0x3  }
0x34: {  	[smem:$0x3FBB] =	sst s10  }
0x35: {  	s10 =	sld [smem:$0x3FBA];
	_ =	sdelay $0x3  }
0x36: {  	p1 =	seq.s32 s10, $0x1;
	s10 =	sld [smem:$0x3FBB];
	_ =	sdelay $0x3  }
0x37: {  	[smem:$0x3FBB] =	sst s10  }
0x38: {  	s10 =	sld [smem:$0x3FBC]  }
0x39: {  	_ = 	snop;
	(pc) =	sbr.ind lr, $3  }
0x3a: {  	_ = 	snop  }
0x3b: {  	_ = 	snop  }
0x3c: {  	p2 =	seq.s32 s10, $0x1;
	s10 =	sld [smem:$0x3FBB]  }
0x3d: {  	_ =	shalt  }
0x3e: {  	_ =	shalt  }
0x3f: {  	_ =	shalt  }
0x40: {  	_ =	shalt  }
0x41: {  	_ =	shalt  }
0x42: {  	_ =	shalt  }
0x43: {  	_ =	shalt  }
0x44: {  	_ =	shalt  }
0x45: {  	_ =	shalt  }
0x46: {  	_ =	shalt  }
0x47: {  	_ =	shalt  }
0x48: {  	_ =	shalt  }
0x49: {  	_ =	shalt  }
0x4a: {  	_ =	shalt  }
0x4b: {  	_ =	shalt  }
0x4c: {  	_ =	shalt  }
0x4d: {  	_ =	shalt  }
0x4e: {  	_ =	shalt  }
0x4f: {  	_ =	shalt  }
0x50: {  	_ =	shalt  }
0x51: {  	_ =	shalt  }
0x52: {  	_ =	shalt  }
0x53: {  	_ =	shalt  }
0x54: {  	_ =	shalt  }
0x55: {  	_ =	shalt  }
0x56: {  	_ =	shalt  }
0x57: {  	_ =	shalt  }
0x58: {  	_ =	shalt  }
0x59: {  	_ =	shalt  }
0x5a: {  	_ =	shalt  }
0x5b: {  	_ =	shalt  }
0x5c: {  	_ =	shalt  }
0x5d: {  	_ =	shalt  }
0x5e: {  	_ =	shalt  }
0x5f: {  	_ =	shalt  }
0x60: {  	_ =	shalt  }
0x61: {  	_ =	shalt  }
0x62: {  	_ =	shalt  }
0x63: {  	_ =	shalt  }
0x64: {  	_ =	shalt  }
0x65: {  	_ =	shalt  }
0x66: {  	_ =	shalt  }
0x67: {  	_ =	shalt  }
0x68: {  	_ =	shalt  }
0x69: {  	_ =	shalt  }
0x6a: {  	_ =	shalt  }
0x6b: {  	_ =	shalt  }
0x6c: {  	_ =	shalt  }
0x6d: {  	_ =	shalt  }
0x6e: {  	_ =	shalt  }
0x6f: {  	_ =	shalt  }
0x70: {  	_ =	shalt  }
0x71: {  	_ =	shalt  }
0x72: {  	_ =	shalt  }
0x73: {  	_ =	shalt  }
0x74: {  	_ =	shalt  }
0x75: {  	_ =	shalt  }
0x76: {  	_ =	shalt  }
0x77: {  	_ =	shalt  }
0x78: {  	_ =	shalt  }
0x79: {  	_ =	shalt  }
0x7a: {  	_ =	shalt  }
0x7b: {  	_ =	shalt  }
0x7c: {  	_ =	shalt  }
0x7d: {  	_ =	shalt  }
0x7e: {  	_ =	shalt  }
0x7f: {  	_ =	shalt  }
0x80: {  	_ =	shalt  }
0x81: {  	_ =	shalt  }
0x82: {  	_ =	shalt  }
0x83: {  	_ =	shalt  }
0x84: {  	_ =	shalt  }
0x85: {  	_ =	shalt  }
0x86: {  	_ =	shalt  }
0x87: {  	_ =	shalt  }
.Lfunc_end0:
.L_simem_size_0:
called_computation_lowered:
.L_overlay_start_0:
0x88: {  	s2 =	sld [smem:$0x3FD9]  }
0x89: {  	s3 =	sld [smem:$0x3FFE];
	_ =	sdelay $0x1  }
0x8a: {  	s1 =	srdreg.scid  }
0x8b: {  	s0 =	sand.u32 $0x1, s1  }
0x8c: {  	s18 =	sshll.u32 s0, $0xA;
	s2 =	sadd.s32 s3, s2  }
0x8d: {  	s2 =	sadd.s32 s2, s18  }
0x8e: {  	[smem:$0x3FC7] =	sst s2  }
0x8f: {  	_ = 	snop  }
0x90: {  	s2 =	sld [smem:$0x3FC9]  }
0x91: {  	s19 =	sld [smem:$0x3FD0];
	(tm) =	ssettm $0x1  }
0x92: {  	s4 =	sld [smem:$0x3FFB];
	_ =	sdelay $0x3  }
0x93: {  	_ =	strace s4  }
0x94: {  	s4 =	sld [smem:$0x3FFC];
	_ =	sdelay $0x3  }
0x95: {  	_ =	strace s4  }
0x96: {  	s4 =	sld [smem:$0x3FFD];
	_ =	sdelay $0x3  }
0x97: {  	_ =	strace s4  }
0x98: {  	_ =	strace $0x8FFFFFFF  }
0x99: {  	s20 =	sld [smem:$0x3FDB];
	_ =	sdelay $0x1  }
0x9a: {  	s5 =	simm.s32 $_scs_section_size  }
0x9b: {  	s6 =	simm.s32 $_size__tile_overlayer_lowered;
	s7 =	simm.s32 $_tile_overlayer_lowered  }
0x9c: {  	s23 =	simm.s32 $0x1BFF;
	s22 =	sshll.u32 s7, $0x1;
	s4 =	sadd.s32 s5, s20  }
0x9d: {  	s8 =	simm.s32 $0x0;
	s21 =	sshll.u32 s6, $0x1;
	s6 =	sadd.s32 s22, s4  }
0x9e: {  	[timem:s8], [sflag:s23] =	dma.local [hbm:s6], s21  }
0x9f: {  	_ =	swait.ge [sflag:s23], s21  }
0xa0: {  	s5 =	ssub.s32 $0x0, s21;
	[sflag:s23] =	ssyncset.done $0x0  }
0xa1: {  	[sflag:s23] =	ssyncadd.s32 s5;
	_ =	sdelay $0x1  }
0xa2: {  	s24 =	simm.s32 $0x1B8B  }
0xa3: {  	_ =	swait.ge [sflag:s24], $0x1  }
0xa4: {  	[sflag:s24] =	ssyncset.done $0x0  }
0xa5: {  	s25 =	simm.s32 $0x1B8E;
	[sflag:s24] =	ssyncadd.s32 $0xFFFFFFFF  }
0xa6: {  	s26 =	simm.s32 $execute0_lowered;
	[smem:$0x3FD2] =	sst s25  }
0xa7: {  	s5 =	sshll.u32 s26, $0x1;
	_ =	strace $0x80000046;
	[dreg:$0x1] =	wrdreg $0xFFFFFFFF  }
0xa8: {  	s28 =	simm.s32 $_size_execute0_lowered;
	s4 =	sadd.s32 s4, s5;
	[dreg:$0x0] =	wrdreg $0x0  }
0xa9: {  	s5 =	sshll.u32 s28, $0x1;
	[dreg:$0x2] =	wrdreg s4  }
0xaa: {  	[dreg:$0x3] =	wrdreg s5  }
0xab: {  	[dreg:$0x4] =	wrdreg $0xC0  }
0xac: {  	_ =	task [dreg:s8], $0x5FFFF  }
0xad: {  	[dreg:$0x1] =	wrdreg $0xFFFFFFFF  }
0xae: {  	[dreg:$0x0] =	wrdreg $0x60  }
0xaf: {  	[dreg:$0x2] =	wrdreg s2  }
0xb0: {  	[dreg:$0x3] =	wrdreg s19  }
0xb1: {  	[dreg:$0x4] =	wrdreg $0x9  }
0xb2: {  	_ =	task.clear_ibuf [dreg:s8], $0x5FFFF;
	_ =	strace $0x90000046  }
0xb3: {  	s29 =	simm.s32 $0x9;
	_ =	strace $0x80000048  }
0xb4: {  	_ =	swait.ge [sflag:s29], $0x1  }
0xb5: {  	[sflag:s29] =	ssyncadd.s32 $0xFFFFFFFF  }
0xb6: {  	_ =	strace $0x90000048  }
0xb7: {  	_ =	sfence  }
0xb8: {  	s30 =	sld [smem:$0x0];
	_ =	sdelay $0x2  }
0xb9: {  	s31 =	sshll.u32 s1, $0xD;
	s1 =	sshrl.u32 s1, $0x2  }
0xba: {  	s3 =	sand.u32 $0x4000, s31;
	s1 =	sadd.s32 s1, s30  }
0xbb: {  	s0 =	sor.u32 s3, s0;
	s1 =	sshll.u32 s1, $0x11  }
0xbc: {  	s0 =	sor.u32 s1, s0  }
0xbd: {  	s0 =	sadd.s32 $0x8F2B, s0  }
0xbe: {  	[sflag:s0] =	ssyncadd.remote.s32 $0x1  }
0xbf: {  	_ =	sfence.sel $0xFFFF  }
0xc0: {  	[dreg:$0x0] =	wrdreg $0xFFFFFFFF;
	(pc) =	sbr.abs _section_cstart, $3  }
0xc1: {  	[dreg:$0x1] =	wrdreg $0xFFFFFFFF  }
0xc2: {  	_ =	task.clear_ibuf [dreg:s8], $0x2FFFF;
	_ =	strace $0x9FFFFFFF  }
0xc3: {  	(tm) =	ssettm $0x7FFFFFFF  }
tec
execute0_lowered:
.L_overlay_start_1:
0x0: {  	(tag) =	ssettag $0x1  }
0x1: {  	s1 =	srdreg.scid;
	s0 =	stileid.u32  }
0x2: {  	v0 =	vlaneseq.u32;
	s31 =	sand.u32 $0x1, s1;
	s7 =	sshll.u32 s0, $0x1  }
0x3: {  	v31 =	vmul.u32 $0x2, v0;
	s21 =	sor.u32 s31, s7  }
0x4: {  	s2 =	rddreg [dreg:$0x0];
	s3 =	simm.s32 $0x0;
	s4 =	sshll.u32 s21, $0xA  }
0x5: {  	[smem:$0x7FF] =	sst s3;
	s6 =	sor.u32 $0x40, s4;
	v15 =	vor.u32 s4, v31  }
0x6: {  	s29 =	rddreg [dreg:$0x1];
	_ =	strace $0x80000047;
	s8 =	sor.u32 $0x60, s4;
	v0 =	vor.u32 s6, v31;
	[tilespmem:$0x0] =	vst v15  }
0x7: {  	s10 =	sor.u32 $0xA0, s4;
	v1 =	vor.u32 s8, v31;
	[tilespmem:$0x20] =	vst v0  }
0x8: {  	s11 =	sor.u32 $0xC0, s4;
	v3 =	vor.u32 s10, v31;
	[tilespmem:$0x30] =	vst v1  }
0x9: {  	s12 =	sor.u32 $0xE0, s4;
	v4 =	vor.u32 s11, v31;
	[tilespmem:$0x90] =	vst v3  }
0xa: {  	s14 =	sor.u32 $0x120, s4;
	v5 =	vor.u32 s12, v31;
	[tilespmem:$0xA0] =	vst v4  }
0xb: {  	s15 =	sor.u32 $0x140, s4;
	v7 =	vor.u32 s14, v31;
	[tilespmem:$0xB0] =	vst v5  }
0xc: {  	s16 =	sor.u32 $0x160, s4;
	v8 =	vor.u32 s15, v31;
	[tilespmem:$0x110] =	vst v7  }
0xd: {  	s18 =	sor.u32 $0x1A0, s4;
	v9 =	vor.u32 s16, v31;
	[tilespmem:$0x120] =	vst v8  }
0xe: {  	s19 =	sor.u32 $0x1C0, s4;
	v11 =	vor.u32 s18, v31;
	[tilespmem:$0x130] =	vst v9  }
0xf: {  	s20 =	sor.u32 $0x1E0, s4;
	v12 =	vor.u32 s19, v31;
	[tilespmem:$0x190] =	vst v11  }
0x10: {  	s5 =	sshll.u32 s21, $0x9;
	s1 =	sor.u32 $0x3E0, s4;
	v13 =	vor.u32 s20, v31;
	[tilespmem:$0x1A0] =	vst v12  }
0x11: {  	s22 =	sor.u32 $0x40, s5;
	s7 =	sor.u32 $0x3C0, s4;
	v16 =	vor.u32 s1, v31;
	[tilespmem:$0x1B0] =	vst v13  }
0x12: {  	s23 =	sor.u32 $0x80, s5;
	s9 =	sshll.u32 s22, $0x1;
	v17 =	vor.u32 s7, v31;
	[tilespmem:$0x3B0] =	vst v16  }
0x13: {  	s24 =	sor.u32 $0xC0, s5;
	s13 =	sshll.u32 s23, $0x1;
	v2 =	vor.u32 s9, v31;
	[tilespmem:$0x3A0] =	vst v17  }
0x14: {  	s25 =	sor.u32 $0x100, s5;
	s17 =	sshll.u32 s24, $0x1;
	v6 =	vor.u32 s13, v31;
	[tilespmem:$0x80] =	vst v2  }
0x15: {  	s26 =	sshll.u32 s25, $0x1;
	v10 =	vor.u32 s17, v31;
	[tilespmem:$0x100] =	vst v6  }
0x16: {  	s8 =	sor.u32 $0x3A0, s4;
	v14 =	vor.u32 s26, v31;
	[tilespmem:$0x180] =	vst v10  }
0x17: {  	s10 =	sor.u32 $0x360, s4;
	v18 =	vor.u32 s8, v31;
	[tilespmem:$0x200] =	vst v14  }
0x18: {  	s11 =	sor.u32 $0x340, s4;
	v20 =	vor.u32 s10, v31;
	[tilespmem:$0x390] =	vst v18  }
0x19: {  	s12 =	sor.u32 $0x320, s4;
	v21 =	vor.u32 s11, v31;
	[tilespmem:$0x330] =	vst v20  }
0x1a: {  	s14 =	sor.u32 $0x2E0, s4;
	v22 =	vor.u32 s12, v31;
	[tilespmem:$0x320] =	vst v21  }
0x1b: {  	s15 =	sor.u32 $0x2C0, s4;
	v24 =	vor.u32 s14, v31;
	[tilespmem:$0x310] =	vst v22  }
0x1c: {  	s16 =	sor.u32 $0x2A0, s4;
	v25 =	vor.u32 s15, v31;
	[tilespmem:$0x2B0] =	vst v24  }
0x1d: {  	s18 =	sor.u32 $0x260, s4;
	v26 =	vor.u32 s16, v31;
	[tilespmem:$0x2A0] =	vst v25  }
0x1e: {  	s19 =	sor.u32 $0x240, s4;
	v28 =	vor.u32 s18, v31;
	[tilespmem:$0x290] =	vst v26  }
0x1f: {  	s30 =	sor.u32 $0x1C0, s5;
	s20 =	sor.u32 $0x220, s4;
	v29 =	vor.u32 s19, v31;
	[tilespmem:$0x230] =	vst v28  }
0x20: {  	s28 =	sor.u32 $0x180, s5;
	s9 =	sshll.u32 s30, $0x1;
	v30 =	vor.u32 s20, v31;
	[tilespmem:$0x220] =	vst v29  }
0x21: {  	s13 =	sshll.u32 s28, $0x1;
	s26 =	sor.u32 $0x140, s5;
	v19 =	vor.u32 s9, v31;
	[tilespmem:$0x210] =	vst v30  }
0x22: {  	v23 =	vor.u32 s13, v31;
	s17 =	sshll.u32 s26, $0x1;
	[tilespmem:$0x380] =	vst v19  }
0x23: {  	s4 =	sor.u32 $0x20, s4;
	[tilespmem:$0x300] =	vst v23;
	v27 =	vor.u32 s17, v31  }
0x24: {  	v31 =	vor.u32 s4, v31;
	[tilespmem:$0x280] =	vst v27  }
0x25: {  	s5 =	simm.s32 $0x400;
	s4 =	simm.s32 $0x40;
	[tilespmem:$0x10] =	vst v31  }
0x26: {  	[tilespmem:s5], [sflag:$0x1] =	stream.indirect.gather [hbm4b:s2+s4], $0x80, s3, s4, $0xb8;
	[tilespmem:$0x10400] =	vst v63  }
0x27: {  	s6 =	simm.s32 $0x80;
	s7 =	simm.s32 $0x2400  }
0x28: {  	[tilespmem:s7], [sflag:$0x1] =	stream.indirect.gather [hbm4b:s2+s4], $0x80, s6, s4, $0xb8;
	[tilespmem:$0x10400] =	vst v63  }
0x29: {  	s8 =	simm.s32 $0x100;
	s9 =	simm.s32 $0x4400  }
0x2a: {  	[tilespmem:s9], [sflag:$0x1] =	stream.indirect.gather [hbm4b:s2+s4], $0x80, s8, s4, $0xb8;
	[tilespmem:$0x10400] =	vst v63  }
0x2b: {  	s10 =	simm.s32 $0x180;
	s11 =	simm.s32 $0x6400  }
0x2c: {  	[tilespmem:s11], [sflag:$0x1] =	stream.indirect.gather [hbm4b:s2+s4], $0x80, s10, s4, $0xb8;
	[tilespmem:$0x10400] =	vst v63  }
0x2d: {  	s12 =	simm.s32 $0x200;
	s13 =	simm.s32 $0x8400  }
0x2e: {  	[tilespmem:s13], [sflag:$0x1] =	stream.indirect.gather [hbm4b:s2+s4], $0x80, s12, s4, $0xb8;
	[tilespmem:$0x10400] =	vst v63  }
0x2f: {  	s14 =	simm.s32 $0x280;
	s15 =	simm.s32 $0xA400  }
0x30: {  	[tilespmem:s15], [sflag:$0x1] =	stream.indirect.gather [hbm4b:s2+s4], $0x80, s14, s4, $0xb8;
	[tilespmem:$0x10400] =	vst v63  }
0x31: {  	s16 =	simm.s32 $0x300;
	s17 =	simm.s32 $0xC400  }
0x32: {  	[tilespmem:s17], [sflag:$0x1] =	stream.indirect.gather [hbm4b:s2+s4], $0x80, s16, s4, $0xb8;
	[tilespmem:$0x10400] =	vst v63  }
0x33: {  	s18 =	simm.s32 $0x380;
	s19 =	simm.s32 $0xE400;
	s20 =	simm.s32 $0x1  }
0x34: {  	[tilespmem:s19], [sflag:$0x1] =	stream.indirect.gather [hbm4b:s2+s4], $0x80, s18, s4, $0xb8;
	[tilespmem:$0x10400] =	vst v63  }
0x35: {  	_ =	swait.ge [sflag:s20], $0x2000  }
0x36: {  	s21 =	sshll.u32 s21, $0xD;
	[sflag:s20] =	ssyncset.done $0x0  }
0x37: {  	s21 =	sadd.s32 s29, s21;
	[sflag:s20] =	ssyncadd.s32 $0xFFFFE000  }
0x38: {  	[hbm4b:s21+s3] =	stream.linear.scatter [tilespmem:s5], [sflag:$0x2], $0x2000, $0x38;
	[tilespmem:$0x10400] =	vst v63  }
0x39: {  	_ =	swait.ge [sflag:s20], $0x2000  }
0x3a: {  	s22 =	sshll.u32 s22, $0x4;
	[sflag:s20] =	ssyncset.done $0x0  }
0x3b: {  	s22 =	sadd.s32 s29, s22;
	[sflag:s20] =	ssyncadd.s32 $0xFFFFE000  }
0x3c: {  	[hbm4b:s22+s3] =	stream.linear.scatter [tilespmem:s7], [sflag:$0x2], $0x2000, $0x38;
	[tilespmem:$0x10400] =	vst v63  }
0x3d: {  	_ =	swait.ge [sflag:s20], $0x2000  }
0x3e: {  	s23 =	sshll.u32 s23, $0x4;
	[sflag:s20] =	ssyncset.done $0x0  }
0x3f: {  	s23 =	sadd.s32 s29, s23;
	[sflag:s20] =	ssyncadd.s32 $0xFFFFE000  }
0x40: {  	[hbm4b:s23+s3] =	stream.linear.scatter [tilespmem:s9], [sflag:$0x2], $0x2000, $0x38;
	[tilespmem:$0x10400] =	vst v63  }
0x41: {  	_ =	swait.ge [sflag:s20], $0x2000  }
0x42: {  	s24 =	sshll.u32 s24, $0x4;
	[sflag:s20] =	ssyncset.done $0x0  }
0x43: {  	s24 =	sadd.s32 s29, s24;
	[sflag:s20] =	ssyncadd.s32 $0xFFFFE000  }
0x44: {  	[hbm4b:s24+s3] =	stream.linear.scatter [tilespmem:s11], [sflag:$0x2], $0x2000, $0x38;
	[tilespmem:$0x10400] =	vst v63  }
0x45: {  	_ =	swait.ge [sflag:s20], $0x2000  }
0x46: {  	s25 =	sshll.u32 s25, $0x4;
	[sflag:s20] =	ssyncset.done $0x0  }
0x47: {  	s25 =	sadd.s32 s29, s25;
	[sflag:s20] =	ssyncadd.s32 $0xFFFFE000  }
0x48: {  	[hbm4b:s25+s3] =	stream.linear.scatter [tilespmem:s13], [sflag:$0x2], $0x2000, $0x38;
	[tilespmem:$0x10400] =	vst v63  }
0x49: {  	_ =	swait.ge [sflag:s20], $0x2000  }
0x4a: {  	s26 =	sshll.u32 s26, $0x4;
	[sflag:s20] =	ssyncset.done $0x0  }
0x4b: {  	s26 =	sadd.s32 s29, s26;
	[sflag:s20] =	ssyncadd.s32 $0xFFFFE000  }
0x4c: {  	[hbm4b:s26+s3] =	stream.linear.scatter [tilespmem:s15], [sflag:$0x2], $0x2000, $0x38;
	[tilespmem:$0x10400] =	vst v63  }
0x4d: {  	_ =	swait.ge [sflag:s20], $0x2000  }
0x4e: {  	s28 =	sshll.u32 s28, $0x4;
	[sflag:s20] =	ssyncset.done $0x0  }
0x4f: {  	s28 =	sadd.s32 s29, s28;
	[sflag:s20] =	ssyncadd.s32 $0xFFFFE000  }
0x50: {  	[hbm4b:s28+s3] =	stream.linear.scatter [tilespmem:s17], [sflag:$0x2], $0x2000, $0x38;
	[tilespmem:$0x10400] =	vst v63  }
0x51: {  	_ =	swait.ge [sflag:s20], $0x2000  }
0x52: {  	s30 =	sshll.u32 s30, $0x4;
	[sflag:s20] =	ssyncset.done $0x0  }
0x53: {  	s29 =	sadd.s32 s29, s30;
	s30 =	simm.s32 $0x2;
	[sflag:s20] =	ssyncadd.s32 $0xFFFFE000  }
0x54: {  	[hbm4b:s29+s3] =	stream.linear.scatter [tilespmem:s19], [sflag:$0x2], $0x2000, $0x38;
	[tilespmem:$0x10400] =	vst v63  }
0x55: {  	_ =	swait.ge [sflag:s30], $0x2000  }
0x56: {  	[sflag:s30] =	ssyncset.done $0x0  }
0x57: {  	[sflag:s30] =	ssyncadd.s32 $0xFFFFE000  }
0x58: {  	_ =	swait.ge [sflag:s30], $0x2000  }
0x59: {  	[sflag:s30] =	ssyncset.done $0x0  }
0x5a: {  	[sflag:s30] =	ssyncadd.s32 $0xFFFFE000  }
0x5b: {  	_ =	swait.ge [sflag:s30], $0x2000  }
0x5c: {  	[sflag:s30] =	ssyncset.done $0x0  }
0x5d: {  	[sflag:s30] =	ssyncadd.s32 $0xFFFFE000  }
0x5e: {  	_ =	swait.ge [sflag:s30], $0x2000  }
0x5f: {  	[sflag:s30] =	ssyncset.done $0x0  }
0x60: {  	[sflag:s30] =	ssyncadd.s32 $0xFFFFE000  }
0x61: {  	_ =	swait.ge [sflag:s30], $0x2000  }
0x62: {  	s31 =	ssub.s32 $0x2, s31;
	[sflag:s30] =	ssyncset.done $0x0  }
0x63: {  	s1 =	sshrl.u32 s31, $0x1;
	[sflag:s30] =	ssyncadd.s32 $0xFFFFE000  }
0x64: {  	s1 =	ssub.s32 s31, s1;
	_ =	swait.ge [sflag:s30], $0x2000  }
0x65: {  	s1 =	smax.u32 s1, $0x1;
	[sflag:s30] =	ssyncset.done $0x0  }
0x66: {  	p0 =	sne.s32 s1, $0x1;
	[sflag:s30] =	ssyncadd.s32 $0xFFFFE000  }
.Ltmp0:
0x67: {  	_ =	swait.ge [sflag:s30], $0x2000;
	(pc) =	sbr.rel @!p0 .LBB2_2-.Ltmp0, $4  }
0x68: {  	[sflag:s30] =	ssyncset.done $0x0  }
0x69: {  	[sflag:s30] =	ssyncadd.s32 $0xFFFFE000  }
0x6a: {  	_ =	swait.ge [sflag:s30], $0x2000  }
0x6b: {  	s31 =	sadd.s32 $0xFFFFFFFF, s1;
	[sflag:s30] =	ssyncset.done $0x0  }
.LBB2_1:
0x6c: {  	p0 =	sne.s32 s31, $0x1;
	s31 =	sadd.s32 $0xFFFFFFFF, s31;
	[sflag:s30] =	ssyncadd.s32 $0xFFFFE000  }
0x6d: {  	[tilespmem:$0x20] =	vst v0  }
0x6e: {  	[tilespmem:$0x30] =	vst v1  }
0x6f: {  	[tilespmem:$0x80] =	vst v2  }
0x70: {  	[tilespmem:$0x90] =	vst v3  }
0x71: {  	[tilespmem:$0xA0] =	vst v4  }
0x72: {  	[tilespmem:$0xB0] =	vst v5  }
0x73: {  	[tilespmem:$0x100] =	vst v6  }
0x74: {  	[tilespmem:$0x110] =	vst v7  }
0x75: {  	[tilespmem:$0x120] =	vst v8  }
0x76: {  	[tilespmem:$0x130] =	vst v9  }
0x77: {  	[tilespmem:$0x180] =	vst v10  }
0x78: {  	[tilespmem:$0x190] =	vst v11  }
0x79: {  	[tilespmem:$0x1A0] =	vst v12  }
0x7a: {  	[tilespmem:$0x1B0] =	vst v13  }
0x7b: {  	[tilespmem:$0x200] =	vst v14  }
0x7c: {  	[tilespmem:$0x0] =	vst v15  }
0x7d: {  	[tilespmem:$0x3B0] =	vst v16  }
0x7e: {  	[tilespmem:$0x3A0] =	vst v17  }
0x7f: {  	[tilespmem:$0x390] =	vst v18  }
0x80: {  	[tilespmem:$0x380] =	vst v19  }
0x81: {  	[tilespmem:$0x330] =	vst v20  }
0x82: {  	[tilespmem:$0x320] =	vst v21  }
0x83: {  	[tilespmem:$0x310] =	vst v22  }
0x84: {  	[tilespmem:$0x300] =	vst v23  }
0x85: {  	[tilespmem:$0x2B0] =	vst v24  }
0x86: {  	[tilespmem:$0x2A0] =	vst v25  }
0x87: {  	[tilespmem:$0x290] =	vst v26  }
0x88: {  	[tilespmem:$0x280] =	vst v27  }
0x89: {  	[tilespmem:$0x230] =	vst v28  }
0x8a: {  	[tilespmem:$0x220] =	vst v29  }
0x8b: {  	[tilespmem:$0x210] =	vst v30  }
0x8c: {  	[tilespmem:$0x10] =	vst v31  }
0x8d: {  	[tilespmem:s5], [sflag:$0x1] =	stream.indirect.gather [hbm4b:s2+s4], $0x80, s3, s4, $0xb8;
	[tilespmem:$0x10400] =	vst v63  }
0x8e: {  	_ = 	snop  }
0x8f: {  	[tilespmem:s7], [sflag:$0x1] =	stream.indirect.gather [hbm4b:s2+s4], $0x80, s6, s4, $0xb8;
	[tilespmem:$0x10400] =	vst v63  }
0x90: {  	_ = 	snop  }
0x91: {  	[tilespmem:s9], [sflag:$0x1] =	stream.indirect.gather [hbm4b:s2+s4], $0x80, s8, s4, $0xb8;
	[tilespmem:$0x10400] =	vst v63  }
0x92: {  	_ = 	snop  }
0x93: {  	[tilespmem:s11], [sflag:$0x1] =	stream.indirect.gather [hbm4b:s2+s4], $0x80, s10, s4, $0xb8;
	[tilespmem:$0x10400] =	vst v63  }
0x94: {  	_ = 	snop  }
0x95: {  	[tilespmem:s13], [sflag:$0x1] =	stream.indirect.gather [hbm4b:s2+s4], $0x80, s12, s4, $0xb8;
	[tilespmem:$0x10400] =	vst v63  }
0x96: {  	_ = 	snop  }
0x97: {  	[tilespmem:s15], [sflag:$0x1] =	stream.indirect.gather [hbm4b:s2+s4], $0x80, s14, s4, $0xb8;
	[tilespmem:$0x10400] =	vst v63  }
0x98: {  	_ = 	snop  }
0x99: {  	[tilespmem:s17], [sflag:$0x1] =	stream.indirect.gather [hbm4b:s2+s4], $0x80, s16, s4, $0xb8;
	[tilespmem:$0x10400] =	vst v63  }
0x9a: {  	_ = 	snop  }
0x9b: {  	[tilespmem:s19], [sflag:$0x1] =	stream.indirect.gather [hbm4b:s2+s4], $0x80, s18, s4, $0xb8;
	[tilespmem:$0x10400] =	vst v63  }
0x9c: {  	_ =	swait.ge [sflag:s20], $0x2000  }
0x9d: {  	[sflag:s20] =	ssyncset.done $0x0  }
0x9e: {  	[sflag:s20] =	ssyncadd.s32 $0xFFFFE000  }
0x9f: {  	[hbm4b:s21+s3] =	stream.linear.scatter [tilespmem:s5], [sflag:$0x2], $0x2000, $0x38;
	[tilespmem:$0x10400] =	vst v63  }
0xa0: {  	_ =	swait.ge [sflag:s20], $0x2000  }
0xa1: {  	[sflag:s20] =	ssyncset.done $0x0  }
0xa2: {  	[sflag:s20] =	ssyncadd.s32 $0xFFFFE000  }
0xa3: {  	[hbm4b:s22+s3] =	stream.linear.scatter [tilespmem:s7], [sflag:$0x2], $0x2000, $0x38;
	[tilespmem:$0x10400] =	vst v63  }
0xa4: {  	_ =	swait.ge [sflag:s20], $0x2000  }
0xa5: {  	[sflag:s20] =	ssyncset.done $0x0  }
0xa6: {  	[sflag:s20] =	ssyncadd.s32 $0xFFFFE000  }
0xa7: {  	[hbm4b:s23+s3] =	stream.linear.scatter [tilespmem:s9], [sflag:$0x2], $0x2000, $0x38;
	[tilespmem:$0x10400] =	vst v63  }
0xa8: {  	_ =	swait.ge [sflag:s20], $0x2000  }
0xa9: {  	[sflag:s20] =	ssyncset.done $0x0  }
0xaa: {  	[sflag:s20] =	ssyncadd.s32 $0xFFFFE000  }
0xab: {  	[hbm4b:s24+s3] =	stream.linear.scatter [tilespmem:s11], [sflag:$0x2], $0x2000, $0x38;
	[tilespmem:$0x10400] =	vst v63  }
0xac: {  	_ =	swait.ge [sflag:s20], $0x2000  }
0xad: {  	[sflag:s20] =	ssyncset.done $0x0  }
0xae: {  	[sflag:s20] =	ssyncadd.s32 $0xFFFFE000  }
0xaf: {  	[hbm4b:s25+s3] =	stream.linear.scatter [tilespmem:s13], [sflag:$0x2], $0x2000, $0x38;
	[tilespmem:$0x10400] =	vst v63  }
0xb0: {  	_ =	swait.ge [sflag:s20], $0x2000  }
0xb1: {  	[sflag:s20] =	ssyncset.done $0x0  }
0xb2: {  	[sflag:s20] =	ssyncadd.s32 $0xFFFFE000  }
0xb3: {  	[hbm4b:s26+s3] =	stream.linear.scatter [tilespmem:s15], [sflag:$0x2], $0x2000, $0x38;
	[tilespmem:$0x10400] =	vst v63  }
0xb4: {  	_ =	swait.ge [sflag:s20], $0x2000  }
0xb5: {  	[sflag:s20] =	ssyncset.done $0x0  }
0xb6: {  	[sflag:s20] =	ssyncadd.s32 $0xFFFFE000  }
0xb7: {  	[hbm4b:s28+s3] =	stream.linear.scatter [tilespmem:s17], [sflag:$0x2], $0x2000, $0x38;
	[tilespmem:$0x10400] =	vst v63  }
0xb8: {  	_ =	swait.ge [sflag:s20], $0x2000  }
0xb9: {  	[sflag:s20] =	ssyncset.done $0x0  }
0xba: {  	[sflag:s20] =	ssyncadd.s32 $0xFFFFE000  }
0xbb: {  	[hbm4b:s29+s3] =	stream.linear.scatter [tilespmem:s19], [sflag:$0x2], $0x2000, $0x38;
	[tilespmem:$0x10400] =	vst v63  }
0xbc: {  	_ =	swait.ge [sflag:s30], $0x2000  }
0xbd: {  	[sflag:s30] =	ssyncset.done $0x0  }
0xbe: {  	[sflag:s30] =	ssyncadd.s32 $0xFFFFE000  }
0xbf: {  	_ =	swait.ge [sflag:s30], $0x2000  }
0xc0: {  	[sflag:s30] =	ssyncset.done $0x0  }
0xc1: {  	[sflag:s30] =	ssyncadd.s32 $0xFFFFE000  }
0xc2: {  	_ =	swait.ge [sflag:s30], $0x2000  }
0xc3: {  	[sflag:s30] =	ssyncset.done $0x0  }
0xc4: {  	[sflag:s30] =	ssyncadd.s32 $0xFFFFE000  }
0xc5: {  	_ =	swait.ge [sflag:s30], $0x2000  }
0xc6: {  	[sflag:s30] =	ssyncset.done $0x0  }
0xc7: {  	[sflag:s30] =	ssyncadd.s32 $0xFFFFE000  }
0xc8: {  	_ =	swait.ge [sflag:s30], $0x2000  }
0xc9: {  	[sflag:s30] =	ssyncset.done $0x0  }
0xca: {  	[sflag:s30] =	ssyncadd.s32 $0xFFFFE000  }
0xcb: {  	_ =	swait.ge [sflag:s30], $0x2000  }
0xcc: {  	[sflag:s30] =	ssyncset.done $0x0  }
0xcd: {  	[sflag:s30] =	ssyncadd.s32 $0xFFFFE000  }
.Ltmp1:
0xce: {  	_ =	swait.ge [sflag:s30], $0x2000;
	(pc) =	sbr.rel @p0 .LBB2_1-.Ltmp1, $4  }
0xcf: {  	[sflag:s30] =	ssyncset.done $0x0  }
0xd0: {  	[sflag:s30] =	ssyncadd.s32 $0xFFFFE000  }
0xd1: {  	_ =	swait.ge [sflag:s30], $0x2000  }
0xd2: {  	[sflag:s30] =	ssyncset.done $0x0  }
.LBB2_2:
0xd3: {  	[sflag:s30] =	ssyncadd.s32 $0xFFFFE000  }
0xd4: {  	_ =	sfence.sel $0x180000  }
0xd5: {  	[bflag:$0x0] =	sbarrier.arrive $0xFFFF  }
0xd6: {  	_ =	strace $0x90000047  }
0xd7: {  	[bflag:$0x2] =	sbarrier.arrive $0xFFFF  }
0xd8: {  	p0 =	sne.s32 s0, $0x0;
	s0 =	rddreg [dreg:$0x2]  }
0xd9: {  	s0 =	sadd.s32 @!p0 $0x100000, s0  }
0xda: {  	[sflag:s0] =	ssyncadd.tile.s32 @!p0 $0x1;
	_ =	shalt  }
.Lfunc_end2:
_tile_overlayer_lowered:
.L_overlay_start_2:
0xdb: {  	(tag) =	ssettag $0x2  }
0xdc: {  	s0 =	rddreg [dreg:$0x0];
	s2 =	stileid.u32  }
0xdd: {  	s1 =	rddreg [dreg:$0x1];
	p0 =	sne.s32 s2, $0x0  }
0xde: {  	s3 =	rddreg [dreg:$0x2];
	[bflag:$0x3] =	sbarrier.arrive $0xFFFF;
	s2 =	simm.s32 @!p0 $0x1C03  }
0xdf: {  	[timem:s3], [sflag:s2] =	dma.local @!p0 [hbm:s0], s1  }
0xe0: {  	s0 =	simm.s32 @!p0 $0x3  }
0xe1: {  	_ =	swait.ge @!p0 [sflag:s0], s1  }
0xe2: {  	s1 =	ssub.s32 @!p0 $0x0, s1;
	[sflag:s0] =	ssyncset.done @!p0 $0x0  }
0xe3: {  	[sflag:s0] =	ssyncadd.s32 @!p0 s1  }
0xe4: {  	[bflag:$0x3] =	sbarrier.arrive $0xFFFF  }
0xe5: {  	_ =	shalt  }

</sc_bundles>
